<compile_context>
chip_gen: v7x
topology: tpu7x:2x2x1
jax: 0.10.2.dev20260603
libtpu: 0.0.44.dev20260713+nightly
codegen_flags: <defaults>
</compile_context>

<pallas_src>
import itertools
import functools

import numpy as np
import jax
import jax.numpy as jnp
from jax import lax
from jax.experimental import pallas as pl
from jax.experimental.pallas import tpu as pltpu
from jax.experimental.pallas import tpu_sc as plsc

_N = 9
_NSQ = _N * _N
_NPERM = 362880
_LANES = 16
_NW = 32
_PER_W_VECS = 720
_PER_W = _PER_W_VECS * _LANES
_NPAD = _NW * _PER_W

_PERMS_NP = np.array(list(itertools.permutations(range(_N))), dtype=np.int32)
_PERMS_PAD = np.concatenate(
    [_PERMS_NP, np.broadcast_to(_PERMS_NP[0], (_NPAD - _NPERM, _N)).copy()], axis=0)
_IDXT_NP = (np.arange(_N, dtype=np.int32)[None, :, None] * _N
            + _PERMS_PAD.reshape(_NW, _PER_W, _N).transpose(0, 2, 1)
            ).reshape(_NW, _N * _PER_W).copy()
_FACT = [1, 1, 2, 6, 24, 120, 720, 5040, 40320]

_TRIU, _TRIV = np.triu_indices(_N)
_T1U, _T1V = np.triu_indices(_N, 1)
_NTRI = _TRIU.shape[0]

_T2_NP = np.zeros((_NTRI, _NSQ), np.float32)
for _e in range(_NTRI):
    _u, _v = int(_TRIU[_e]), int(_TRIV[_e])
    _T2_NP[_e, _u * _N + _v] = 1.0
    _T2_NP[_e, _v * _N + _u] = 1.0

_TRI1_NP = np.zeros((_NSQ, 36), np.float32)
for _e in range(36):
    _TRI1_NP[int(_T1U[_e]) * _N + int(_T1V[_e]), _e] = 1.0

_DSEL_NP = np.zeros((_N, _NSQ), np.float32)
for _i in range(_N):
    _DSEL_NP[_i, _i * _N + _i] = 1.0
_DSELT_NP = _DSEL_NP.T.copy()

_BCOL_NP = np.zeros((_N, _NSQ), np.float32)
_BROW_NP = np.zeros((_NSQ, _N), np.float32)
_GSUM_NP = np.zeros((_N, _NSQ), np.float32)
for _a in range(_N):
    for _b in range(_N):
        _BCOL_NP[_b, _a * _N + _b] = 1.0
        _BROW_NP[_a * _N + _b, _b] = 1.0
        _GSUM_NP[_a, _a * _N + _b] = 1.0

_NOTI_NP = np.array([[0.0 if r // _N == r % _N else 1.0] for r in range(_NSQ)],
                    np.float32)
_OFFR_NP = _NOTI_NP.reshape(1, _NSQ).copy()

_UE_NP = np.zeros((48,), np.int32)
_VE_NP = np.zeros((48,), np.int32)
_UE_NP[:_NTRI] = _TRIU
_VE_NP[:_NTRI] = _TRIV


def _tc_body(gh, wmu, bmu, wls, bls, eps, wd1, bd1, wd2, bd2, wnd, bnd,
             wed4, bed4, nf, ef4, ef9, adja_row, adja_col,
             t2, tri1, dsel, dselt, bcol, brow, gsum, noti, offr,
             x_out, lp_out, l1p_out, part_out):
    f32 = jnp.float32
    bf16 = jnp.bfloat16
    dot = functools.partial(jnp.dot, preferred_element_type=f32,
                            precision=lax.Precision.HIGHEST)
    def bdot(a, b):
        ah = a.astype(bf16)
        al = (a - ah.astype(f32)).astype(bf16)
        bh = b.astype(bf16)
        d = lambda x, y: jnp.dot(x, y, preferred_element_type=f32)
        return d(ah, bh) + d(al, bh)

    g = gh[...]
    zmu = bdot(g, wmu[...]) + bmu[...]
    zls = bdot(g, wls[...]) + bls[...]
    z = zmu + eps[...] * jnp.exp(0.5 * zls)
    y = jnp.maximum(bdot(z, wd1[...]) + bd1[...], 0.0)
    out45 = jax.nn.sigmoid(bdot(y, wd2[...]) + bd2[...])
    nr = bdot(y, wnd[...]) + bnd[...]

    erows = [bdot(y, wed4[f]) + bed4[f].reshape(1, 36) for f in range(4)]
    elin = jnp.concatenate(erows, axis=0)
    em = jnp.max(elin, axis=0, keepdims=True)
    ex = jnp.exp(elin - em)
    er = ex / jnp.sum(ex, axis=0, keepdims=True)

    er9 = er[:, :_N]
    e9 = ef9[...]
    dots = dot(e9, er9)
    nef = jnp.sqrt(jnp.sum(e9 * e9, axis=1, keepdims=True))
    nefr = jnp.sqrt(jnp.sum(er9 * er9, axis=0, keepdims=True))
    cosm = dots / jnp.maximum(nef * nefr, 1e-8)

    arow = adja_row[...]
    acol = adja_col[...]
    adjr = dot(out45, t2[...])
    diag_a = dot(dsel[...], acol)
    diag_r = dot(adjr, dselt[...])
    diag_term = diag_a * diag_r * cosm

    s_mat = jnp.abs(acol - adjr) * noti[...] * offr[...]
    s_mat = s_mat + dot(dselt[...], dot(diag_term, dsel[...]))

    bc = bcol[...]
    br = brow[...]
    gs = gsum[...]
    nc = noti[...]

    def mpm_body(_, x):
        xb = dot(br, dot(x, bc))
        tmp = s_mat * xb
        pm = jnp.concatenate(
            [jnp.max(tmp[:, 9 * c:9 * c + 9], axis=1, keepdims=True)
             for c in range(_N)], axis=1)
        neigh = dot(gs, pm * nc)
        xn = x * diag_term + neigh
        return xn / jnp.sqrt(jnp.sum(xn * xn))

    x = lax.fori_loop(0, 50, mpm_body, jnp.full((_N, _N), 1.0 / _N, f32))
    x_out[...] = x

    p = jnp.clip(out45, 1e-7, 1.0 - 1e-7)
    zpad = jnp.zeros((1, 3), f32)
    lp_out[...] = jnp.concatenate([jnp.log(p), zpad], axis=1)
    l1p_out[...] = jnp.concatenate([jnp.log(1.0 - p), zpad], axis=1)

    loss_kl = -0.5 * jnp.sum(1.0 + zls - zmu * zmu - jnp.exp(zls)) / float(_NSQ)
    loss_node = jnp.mean((nr - nf[...]) ** 2)
    aw = dot(arow, tri1[...])
    loss_edge = jnp.mean((er * aw - ef4[...]) ** 2)
    part = loss_kl + loss_node + loss_edge
    lane = lax.broadcasted_iota(jnp.int32, (1, 8), 1)
    part_out[...] = jnp.where(lane == 0, part, 0.0)


def _sc_body(idxt, a96, adj96, lp48, l1p48, part16, ue48, ve48,
             out_hbm,
             buf, av, sh_s, sh_i, tmpf, tmpi, availv, indv, adjv,
             lpv, l1pv, partv, uev, vev, outv):
    cid = lax.axis_index("c")
    sid = lax.axis_index("s")
    wid = sid * 2 + cid
    lanes = lax.iota(jnp.int32, _LANES)

    pltpu.sync_copy(a96, av)
    pltpu.sync_copy(idxt.at[wid], buf)

    base = wid * _PER_W

    def vec_body(v, carry):
        best, bidx = carry
        acc = jnp.zeros((_LANES,), jnp.float32)
        for k in range(_N):
            iv = buf[pl.ds(k * _PER_W + v * _LANES, _LANES)]
            acc = acc + plsc.load_gather(av, [iv])
        cur = base + v * _LANES + lanes
        upd = acc > best
        return jnp.where(upd, acc, best), jnp.where(upd, cur, bidx)

    best, bidx = lax.fori_loop(
        0, _PER_W_VECS, vec_body,
        (jnp.full((_LANES,), -jnp.inf, jnp.float32),
         jnp.zeros((_LANES,), jnp.int32)))

    tmpf[...] = best
    tmpi[...] = bidx
    pltpu.sync_copy(tmpf, sh_s.at[wid])
    pltpu.sync_copy(tmpi, sh_i.at[wid])
    plsc.subcore_barrier()

    @pl.when(wid == 0)
    def _():
        def red_body(t, carry):
            g, gi = carry
            pltpu.sync_copy(sh_s.at[t], tmpf)
            pltpu.sync_copy(sh_i.at[t], tmpi)
            s = tmpf[...]
            i = tmpi[...]
            better = (s > g) | ((s == g) & (i < gi))
            return jnp.where(better, s, g), jnp.where(better, i, gi)

        g, gi = lax.fori_loop(
            0, _NW, red_body,
            (jnp.full((_LANES,), -jnp.inf, jnp.float32),
             jnp.full((_LANES,), 2 ** 30, jnp.int32)))
        m = jnp.max(g)
        fi = jnp.min(jnp.where(g == m, gi, 2 ** 30))

        availv[...] = lanes
        rem = fi
        colv = jnp.zeros((_LANES,), jnp.int32)
        for k in range(_N):
            fct = _FACT[_N - 1 - k]
            d = rem // fct
            rem = rem - d * fct
            v = availv[...]
            elem = jnp.sum(jnp.where(lanes == d, v, 0))
            colv = jnp.where(lanes == k, elem, colv)
            shifted = plsc.load_gather(
                availv, [jnp.minimum(lanes + 1, _LANES - 1)])
            availv[...] = jnp.where(lanes >= d, shifted, v)
        indv[...] = jnp.zeros((_LANES,), jnp.int32)
        plsc.store_scatter(indv, [colv], lanes, mask=lanes < _N)

        pltpu.sync_copy(adj96, adjv)
        pltpu.sync_copy(lp48, lpv)
        pltpu.sync_copy(l1p48, l1pv)
        pltpu.sync_copy(part16, partv)
        pltpu.sync_copy(ue48, uev)
        pltpu.sync_copy(ve48, vev)

        acc = jnp.zeros((_LANES,), jnp.float32)
        for e3 in range(3):
            ue = uev[pl.ds(e3 * _LANES, _LANES)]
            ve = vev[pl.ds(e3 * _LANES, _LANES)]
            iu = plsc.load_gather(indv, [ue])
            iv2 = plsc.load_gather(indv, [ve])
            a_e = plsc.load_gather(adjv, [iu * _N + iv2])
            lpe = lpv[pl.ds(e3 * _LANES, _LANES)]
            l1pe = l1pv[pl.ds(e3 * _LANES, _LANES)]
            valid = (lanes + e3 * _LANES) < _NTRI
            acc = acc + jnp.where(valid, a_e * lpe + (1.0 - a_e) * l1pe, 0.0)
        total = jnp.sum(acc) * (-1.0 / float(_NTRI)) + jnp.sum(partv[...])
        outv[...] = lax.broadcast(total, (_LANES,))
        pltpu.sync_copy(outv, out_hbm)


def _run_tc(gh, wmu, bmu, wls, bls, eps, wd1, bd1, wd2, bd2, wnd, bnd,
            wed4, bed4, nf, ef4, ef9, adja_row, adja_col, interpret=False):
    f32 = jnp.float32
    consts = [jnp.asarray(c) for c in
              (_T2_NP, _TRI1_NP, _DSEL_NP, _DSELT_NP, _BCOL_NP, _BROW_NP,
               _GSUM_NP, _NOTI_NP, _OFFR_NP)]
    out_shapes = (jax.ShapeDtypeStruct((_N, _N), f32),
                  jax.ShapeDtypeStruct((1, 48), f32),
                  jax.ShapeDtypeStruct((1, 48), f32),
                  jax.ShapeDtypeStruct((1, 8), f32))
    return pl.pallas_call(_tc_body, out_shape=out_shapes, interpret=interpret)(
        gh, wmu, bmu, wls, bls, eps, wd1, bd1, wd2, bd2, wnd, bnd,
        wed4, bed4, nf, ef4, ef9, adja_row, adja_col, *consts)


def _run_sc(a96, adj96, lp48, l1p48, part16):
    i32, f32 = jnp.int32, jnp.float32
    mesh = plsc.VectorSubcoreMesh(core_axis_name="c", subcore_axis_name="s")
    scan = pl.kernel(
        _sc_body,
        out_type=jax.ShapeDtypeStruct((_LANES,), f32),
        mesh=mesh,
        compiler_params=pltpu.CompilerParams(needs_layout_passes=False),
        scratch_types=[
            pltpu.VMEM((_N * _PER_W,), i32),
            pltpu.VMEM((96,), f32),
            pltpu.VMEM_SHARED((_NW, _LANES), f32),
            pltpu.VMEM_SHARED((_NW, _LANES), i32),
            pltpu.VMEM((_LANES,), f32),
            pltpu.VMEM((_LANES,), i32),
            pltpu.VMEM((_LANES,), i32),
            pltpu.VMEM((_LANES,), i32),
            pltpu.VMEM((96,), f32),
            pltpu.VMEM((48,), f32),
            pltpu.VMEM((48,), f32),
            pltpu.VMEM((_LANES,), f32),
            pltpu.VMEM((48,), i32),
            pltpu.VMEM((48,), i32),
            pltpu.VMEM((_LANES,), f32),
        ])
    return scan(jnp.asarray(_IDXT_NP),
                a96, adj96, lp48, l1p48, part16,
                jnp.asarray(_UE_NP), jnp.asarray(_VE_NP))


def kernel(adj, edges_features, nodes_features, W_mu, b_mu, W_ls, b_ls,
           W_d1, b_d1, W_d2, b_d2, W_nd, b_nd, W_ed, b_ed, eps):
    f32 = jnp.float32
    gh = nodes_features.reshape(1, _N * 11).astype(f32)
    adj0 = adj[0].astype(f32)
    wed4 = W_ed.reshape(128, 36, 4).transpose(2, 0, 1)
    bed4 = b_ed.reshape(36, 4).T

    x, lp48, l1p48, part8 = _run_tc(
        gh, W_mu, b_mu.reshape(1, -1), W_ls, b_ls.reshape(1, -1), eps,
        W_d1, b_d1.reshape(1, -1), W_d2, b_d2.reshape(1, -1),
        W_nd, b_nd.reshape(1, -1), wed4, bed4,
        gh, edges_features[0].T, edges_features[0, :_N, :],
        adj0.reshape(1, _NSQ), adj0.reshape(_NSQ, 1))

    a96 = jnp.pad(x.reshape(_NSQ), (0, 96 - _NSQ))
    adj96 = jnp.pad(adj0.reshape(_NSQ), (0, 96 - _NSQ))
    part16 = jnp.pad(part8.reshape(8), (0, 8))
    res = _run_sc(a96, adj96, lp48.reshape(48), l1p48.reshape(48), part16)
    return res[0]

# --- scband reference (transcript-rebuilt; emitter-appended) ---
"""Pipeline reference for scband-graph-vae-25718264168799 (READ-ONLY COPY).

The authoritative reference and input builder live on the scoring server;
editing this copy changes nothing except your own understanding.
"""

import jax, jax.numpy as jnp
import numpy as np
import itertools

N = 9
E_MAX = N * (N - 1) // 2
NF = 11
EFD = 4
LATENT = 128
H = N * NF
OUT_DIM = N * (N + 1) // 2
E_SIZE = E_MAX * EFD
B = 1
PERMS = np.array(list(itertools.permutations(range(N))), dtype=np.int32)


def _lin(k, fi, fo):
    s = 1.0 / np.sqrt(fi)
    kw, kb = jax.random.split(k)
    W = jax.random.uniform(kw, (fi, fo), jnp.float32, -s, s)
    b = jax.random.uniform(kb, (fo,), jnp.float32, -s, s)
    return W, b


def setup_inputs(seed: int = 0):
    key = jax.random.key(seed)
    ks = jax.random.split(key, 12)
    A = (jax.random.uniform(ks[0], (B, N, N)) > 0.5).astype(jnp.float32)
    adj = jnp.triu(A) + jnp.swapaxes(jnp.triu(A, 1), -1, -2)
    edges_features = jax.random.normal(ks[1], (B, E_MAX, EFD), jnp.float32)
    nodes_features = jax.random.normal(ks[2], (B, N, NF), jnp.float32)
    W_mu, b_mu = _lin(ks[3], H, LATENT)
    W_ls, b_ls = _lin(ks[4], H, LATENT)
    W_d1, b_d1 = _lin(ks[5], LATENT, LATENT)
    W_d2, b_d2 = _lin(ks[6], LATENT, OUT_DIM)
    W_nd, b_nd = _lin(ks[7], LATENT, H)
    W_ed, b_ed = _lin(ks[8], LATENT, E_SIZE)
    eps = jax.random.normal(ks[9], (B, LATENT), jnp.float32)
    return {"adj": adj, "edges_features": edges_features, "nodes_features": nodes_features,
            "W_mu": W_mu, "b_mu": b_mu, "W_ls": W_ls, "b_ls": b_ls,
            "W_d1": W_d1, "b_d1": b_d1, "W_d2": W_d2, "b_d2": b_d2,
            "W_nd": W_nd, "b_nd": b_nd, "W_ed": W_ed, "b_ed": b_ed, "eps": eps}


def _forward(adj, edges_features, nodes_features, W_mu, b_mu, W_ls, b_ls, W_d1, b_d1, W_d2, b_d2, W_nd, b_nd, W_ed, b_ed, eps):
    graph_h = nodes_features.reshape(-1, H)
    z_mu = graph_h @ W_mu + b_mu
    z_lsgms = graph_h @ W_ls + b_ls
    z = z_mu + eps * jnp.exp(0.5 * z_lsgms)
    y = jax.nn.relu(z @ W_d1 + b_d1)
    h_decode = y @ W_d2 + b_d2
    node_recon = (y @ W_nd + b_nd).reshape(-1, N, NF)
    edges_recon = jax.nn.softmax((y @ W_ed + b_ed).reshape(-1, E_MAX, EFD), axis=2)
    out = jax.nn.sigmoid(h_decode)
    tri = jnp.triu_indices(N)
    tri1 = jnp.triu_indices(N, k=1)
    ii, aa = jnp.meshgrid(jnp.arange(N), jnp.arange(N), indexing='ij')
    eye = jnp.eye(N, dtype=bool)
    perms = jnp.asarray(PERMS)
    adj_perm_list = []
    edges_total = []
    for i in range(B):
        l = out[i]
        low = jnp.zeros((N, N), jnp.float32).at[tri].set(l)
        adj_recon = low + low.T - jnp.diag(jnp.diag(low))
        aw = adj[i][tri1]
        edges_total.append(edges_recon[i] * aw[:, None])
        base = jnp.abs(adj[i][:, :, None, None] - adj_recon[None, None, :, :])
        offmask = ((~eye)[:, :, None, None] & (~eye)[None, None, :, :]).astype(jnp.float32)
        S = base * offmask
        ef = edges_features[i][:N]
        efr = edges_recon[i][:N]
        dots = ef @ efr.T
        denom = jnp.maximum(jnp.linalg.norm(ef, axis=1)[:, None] * jnp.linalg.norm(efr, axis=1)[None, :], 1e-8)
        cosm = dots / denom
        diag_term = jnp.diag(adj[i])[:, None] * jnp.diag(adj_recon)[None, :] * cosm
        S = S.at[ii, ii, aa, aa].set(diag_term)
        diagS = S[ii, ii, aa, aa]
        notI = (~eye).astype(jnp.float32)
        x = jnp.ones((N, N), jnp.float32) / N
        for _ in range(50):
            pmax = (S * x[None, :, None, :]).max(axis=3)
            neigh = jnp.sum(pmax * notI[:, :, None], axis=1)
            x_new = x * diagS + neigh
            x = x_new / jnp.linalg.norm(x_new)
        assignment = jax.lax.stop_gradient(x)
        scores = assignment[jnp.arange(N)[None, :], perms].sum(axis=1)
        col = perms[jnp.argmax(scores)]
        ind = jnp.zeros((N,), jnp.int32).at[col].set(jnp.arange(N, dtype=jnp.int32))
        adj_perm_list.append(adj[i][ind, :][:, ind])
    adj_permuted_total = jnp.stack(adj_perm_list)
    edges_recon_total = jnp.stack(edges_total)
    adj_vec = adj_permuted_total[0][tri]
    p = jnp.clip(out[0], 1e-7, 1.0 - 1e-7)
    adj_recon_loss = -jnp.mean(adj_vec * jnp.log(p) + (1.0 - adj_vec) * jnp.log(1.0 - p))
    loss_kl = -0.5 * jnp.sum(1.0 + z_lsgms - z_mu ** 2 - jnp.exp(z_lsgms)) / (N * N)
    loss_edge = jnp.mean((edges_recon_total - edges_features) ** 2)
    loss_node = jnp.mean((node_recon - nodes_features) ** 2)
    return adj_recon_loss + loss_kl + loss_edge + loss_node


def reference(adj, edges_features, nodes_features, W_mu, b_mu, W_ls, b_ls, W_d1, b_d1, W_d2, b_d2, W_nd, b_nd, W_ed, b_ed, eps):
    return _forward(adj, edges_features, nodes_features, W_mu, b_mu, W_ls, b_ls, W_d1, b_d1, W_d2, b_d2, W_nd, b_nd, W_ed, b_ed, eps)

if __name__ == "__main__":
    import jax
    _d = setup_inputs()
    print(jax.jit(kernel)(*tuple(_d.values())))

</pallas_src>

<mosaic_0001>
#map = affine_map<(d0, d1) -> (0, 0)>
#map1 = affine_map<(d0, d1) -> (0)>
module attributes {stable_mosaic.version = 14 : i64} {
  func.func @_sc_body(%arg0: i32, %arg1: i32, %arg2: memref<32x103680xi32, #tpu.memory_space<hbm>>, %arg3: memref<96xf32, #tpu.memory_space<hbm>>, %arg4: memref<96xf32, #tpu.memory_space<hbm>>, %arg5: memref<48xf32, #tpu.memory_space<hbm>>, %arg6: memref<48xf32, #tpu.memory_space<hbm>>, %arg7: memref<16xf32, #tpu.memory_space<hbm>>, %arg8: memref<48xi32, #tpu.memory_space<hbm>>, %arg9: memref<48xi32, #tpu.memory_space<hbm>>, %arg10: memref<16xf32, #tpu.memory_space<hbm>>, %arg11: memref<103680xi32, #tpu.memory_space<vmem>>, %arg12: memref<96xf32, #tpu.memory_space<vmem>>, %arg13: memref<32x16xf32, #tpu.memory_space<vmem_shared>>, %arg14: memref<32x16xi32, #tpu.memory_space<vmem_shared>>, %arg15: memref<16xf32, #tpu.memory_space<vmem>>, %arg16: memref<16xi32, #tpu.memory_space<vmem>>, %arg17: memref<16xi32, #tpu.memory_space<vmem>>, %arg18: memref<16xi32, #tpu.memory_space<vmem>>, %arg19: memref<96xf32, #tpu.memory_space<vmem>>, %arg20: memref<48xf32, #tpu.memory_space<vmem>>, %arg21: memref<48xf32, #tpu.memory_space<vmem>>, %arg22: memref<16xf32, #tpu.memory_space<vmem>>, %arg23: memref<48xi32, #tpu.memory_space<vmem>>, %arg24: memref<48xi32, #tpu.memory_space<vmem>>, %arg25: memref<16xf32, #tpu.memory_space<vmem>>) attributes {dimension_semantics = [#tpu.dimension_semantics<core_parallel>, #tpu.dimension_semantics<subcore_parallel>], iteration_bounds = array<i64: 2, 16>, scalar_prefetch = 0 : i64, scratch_operands = 15 : i64, tpu.core_type = #tpu.core_type<sc_vector_subcore>, window_params = [{transform_indices = #map}, {transform_indices = #map1}, {transform_indices = #map1}, {transform_indices = #map1}, {transform_indices = #map1}, {transform_indices = #map1}, {transform_indices = #map1}, {transform_indices = #map1}, {transform_indices = #map1}]} {
    %mul3A = arith.constant 2 : i32
    %mul3A_0 = arith.muli %arg1, %mul3A : i32
    %add3A = arith.addi %mul3A_0, %arg0 : i32
    %iota3A = tpu.iota {dimensions = array<i32: 0>} : vector<16xi32>
    "tpu.region"() ({
      %run_scoped3A = tpu.sem_alloc : memref<!tpu.dma_semaphore, #tpu.memory_space<semaphore_mem>>
      tpu.enqueue_dma source(%arg3 : memref<96xf32, #tpu.memory_space<hbm>>) target(%arg12 : memref<96xf32, #tpu.memory_space<vmem>>) target_semaphore(%run_scoped3A : memref<!tpu.dma_semaphore, #tpu.memory_space<semaphore_mem>>)
      tpu.wait_dma2 semaphore(%run_scoped3A : memref<!tpu.dma_semaphore, #tpu.memory_space<semaphore_mem>>) src(%arg3 : memref<96xf32, #tpu.memory_space<hbm>>) dst(%arg12 : memref<96xf32, #tpu.memory_space<vmem>>)
      tpu.yield
    }) : () -> ()
    "tpu.region"() ({
      %run_scoped3A = tpu.sem_alloc : memref<!tpu.dma_semaphore, #tpu.memory_space<semaphore_mem>>
      %dma_start3A = arith.constant 0 : i32
      %dma_start3A_16 = tpu.memref_slice %arg2[%add3A, %dma_start3A] : memref<32x103680xi32, #tpu.memory_space<hbm>> -> memref<1x103680xi32, #tpu.memory_space<hbm>>
      %dma_start3A_17 = tpu.memref_squeeze %dma_start3A_16 : memref<1x103680xi32, #tpu.memory_space<hbm>> -> memref<103680xi32, #tpu.memory_space<hbm>>
      %dma_start3A_18 = arith.constant 0 : i32
      %dma_start3A_19 = tpu.memref_slice %arg2[%add3A, %dma_start3A_18] : memref<32x103680xi32, #tpu.memory_space<hbm>> -> memref<1x103680xi32, #tpu.memory_space<hbm>>
      %dma_start3A_20 = tpu.memref_squeeze %dma_start3A_19 : memref<1x103680xi32, #tpu.memory_space<hbm>> -> memref<103680xi32, #tpu.memory_space<hbm>>
      tpu.enqueue_dma source(%dma_start3A_20 : memref<103680xi32, #tpu.memory_space<hbm>>) target(%arg11 : memref<103680xi32, #tpu.memory_space<vmem>>) target_semaphore(%run_scoped3A : memref<!tpu.dma_semaphore, #tpu.memory_space<semaphore_mem>>)
      %dma_wait3A = arith.constant 0 : i32
      %dma_wait3A_21 = tpu.memref_slice %arg2[%add3A, %dma_wait3A] : memref<32x103680xi32, #tpu.memory_space<hbm>> -> memref<1x103680xi32, #tpu.memory_space<hbm>>
      %dma_wait3A_22 = tpu.memref_squeeze %dma_wait3A_21 : memref<1x103680xi32, #tpu.memory_space<hbm>> -> memref<103680xi32, #tpu.memory_space<hbm>>
      %dma_wait3A_23 = arith.constant 0 : i32
      %dma_wait3A_24 = tpu.memref_slice %arg2[%add3A, %dma_wait3A_23] : memref<32x103680xi32, #tpu.memory_space<hbm>> -> memref<1x103680xi32, #tpu.memory_space<hbm>>
      %dma_wait3A_25 = tpu.memref_squeeze %dma_wait3A_24 : memref<1x103680xi32, #tpu.memory_space<hbm>> -> memref<103680xi32, #tpu.memory_space<hbm>>
      tpu.wait_dma2 semaphore(%run_scoped3A : memref<!tpu.dma_semaphore, #tpu.memory_space<semaphore_mem>>) src(%dma_wait3A_25 : memref<103680xi32, #tpu.memory_space<hbm>>) dst(%arg11 : memref<103680xi32, #tpu.memory_space<vmem>>)
      tpu.yield
    }) : () -> ()
    %mul3A_1 = arith.constant 11520 : i32
    %mul3A_2 = arith.muli %add3A, %mul3A_1 : i32
    %broadcast_in_dim3A = arith.constant 0xFF800000 : f32
    %broadcast_in_dim3A_3 = vector.broadcast %broadcast_in_dim3A : f32 to vector<16xf32>
    %broadcast_in_dim3A_4 = arith.constant 0 : i32
    %broadcast_in_dim3A_5 = vector.broadcast %broadcast_in_dim3A_4 : i32 to vector<16xi32>
    %scan3A = arith.constant 0 : i32
    %scan3A_6 = arith.constant 720 : i32
    %scan3A_7 = arith.addi %scan3A, %scan3A_6 : i32
    %scan3A_8 = arith.constant 1 : i32
    %scan3A_9:2 = scf.for %scan3A_16 = %scan3A to %scan3A_7 step %scan3A_8 iter_args(%scan3A_17 = %broadcast_in_dim3A_3, %scan3A_18 = %broadcast_in_dim3A_5) -> (vector<16xf32>, vector<16xi32>)  : i32 {
      %broadcast_in_dim3A_19 = arith.constant 0.000000e+00 : f32
      %broadcast_in_dim3A_20 = vector.broadcast %broadcast_in_dim3A_19 : f32 to vector<16xf32>
      %mul3A_21 = arith.constant 16 : i32
      %mul3A_22 = arith.muli %scan3A_16, %mul3A_21 : i32
      %add3A_23 = arith.constant 0 : i32
      %add3A_24 = arith.addi %add3A_23, %mul3A_22 : i32
      %get3A = arith.index_cast %add3A_24 : i32 to index
      %get3A_25 = tpu.vector_load %arg11[%get3A] {strides = array<i32>} : memref<103680xi32, #tpu.memory_space<vmem>>, vector<16xi32>,
      %gather3A = tpu.vector_load_idx %arg12[%get3A_25] : memref<96xf32, #tpu.memory_space<vmem>>[vector<16xi32>], vector<16xf32>,
      %add3A_26 = arith.addf %broadcast_in_dim3A_20, %gather3A : vector<16xf32>
      %mul3A_27 = arith.constant 16 : i32
      %mul3A_28 = arith.muli %scan3A_16, %mul3A_27 : i32
      %add3A_29 = arith.constant 11520 : i32
      %add3A_30 = arith.addi %add3A_29, %mul3A_28 : i32
      %get3A_31 = arith.index_cast %add3A_30 : i32 to index
      %get3A_32 = tpu.vector_load %arg11[%get3A_31] {strides = array<i32>} : memref<103680xi32, #tpu.memory_space<vmem>>, vector<16xi32>,
      %gather3A_33 = tpu.vector_load_idx %arg12[%get3A_32] : memref<96xf32, #tpu.memory_space<vmem>>[vector<16xi32>], vector<16xf32>,
      %add3A_34 = arith.addf %add3A_26, %gather3A_33 : vector<16xf32>
      %mul3A_35 = arith.constant 16 : i32
      %mul3A_36 = arith.muli %scan3A_16, %mul3A_35 : i32
      %add3A_37 = arith.constant 23040 : i32
      %add3A_38 = arith.addi %add3A_37, %mul3A_36 : i32
      %get3A_39 = arith.index_cast %add3A_38 : i32 to index
      %get3A_40 = tpu.vector_load %arg11[%get3A_39] {strides = array<i32>} : memref<103680xi32, #tpu.memory_space<vmem>>, vector<16xi32>,
      %gather3A_41 = tpu.vector_load_idx %arg12[%get3A_40] : memref<96xf32, #tpu.memory_space<vmem>>[vector<16xi32>], vector<16xf32>,
      %add3A_42 = arith.addf %add3A_34, %gather3A_41 : vector<16xf32>
      %mul3A_43 = arith.constant 16 : i32
      %mul3A_44 = arith.muli %scan3A_16, %mul3A_43 : i32
      %add3A_45 = arith.constant 34560 : i32
      %add3A_46 = arith.addi %add3A_45, %mul3A_44 : i32
      %get3A_47 = arith.index_cast %add3A_46 : i32 to index
      %get3A_48 = tpu.vector_load %arg11[%get3A_47] {strides = array<i32>} : memref<103680xi32, #tpu.memory_space<vmem>>, vector<16xi32>,
      %gather3A_49 = tpu.vector_load_idx %arg12[%get3A_48] : memref<96xf32, #tpu.memory_space<vmem>>[vector<16xi32>], vector<16xf32>,
      %add3A_50 = arith.addf %add3A_42, %gather3A_49 : vector<16xf32>
      %mul3A_51 = arith.constant 16 : i32
      %mul3A_52 = arith.muli %scan3A_16, %mul3A_51 : i32
      %add3A_53 = arith.constant 46080 : i32
      %add3A_54 = arith.addi %add3A_53, %mul3A_52 : i32
      %get3A_55 = arith.index_cast %add3A_54 : i32 to index
      %get3A_56 = tpu.vector_load %arg11[%get3A_55] {strides = array<i32>} : memref<103680xi32, #tpu.memory_space<vmem>>, vector<16xi32>,
      %gather3A_57 = tpu.vector_load_idx %arg12[%get3A_56] : memref<96xf32, #tpu.memory_space<vmem>>[vector<16xi32>], vector<16xf32>,
      %add3A_58 = arith.addf %add3A_50, %gather3A_57 : vector<16xf32>
      %mul3A_59 = arith.constant 16 : i32
      %mul3A_60 = arith.muli %scan3A_16, %mul3A_59 : i32
      %add3A_61 = arith.constant 57600 : i32
      %add3A_62 = arith.addi %add3A_61, %mul3A_60 : i32
      %get3A_63 = arith.index_cast %add3A_62 : i32 to index
      %get3A_64 = tpu.vector_load %arg11[%get3A_63] {strides = array<i32>} : memref<103680xi32, #tpu.memory_space<vmem>>, vector<16xi32>,
      %gather3A_65 = tpu.vector_load_idx %arg12[%get3A_64] : memref<96xf32, #tpu.memory_space<vmem>>[vector<16xi32>], vector<16xf32>,
      %add3A_66 = arith.addf %add3A_58, %gather3A_65 : vector<16xf32>
      %mul3A_67 = arith.constant 16 : i32
      %mul3A_68 = arith.muli %scan3A_16, %mul3A_67 : i32
      %add3A_69 = arith.constant 69120 : i32
      %add3A_70 = arith.addi %add3A_69, %mul3A_68 : i32
      %get3A_71 = arith.index_cast %add3A_70 : i32 to index
      %get3A_72 = tpu.vector_load %arg11[%get3A_71] {strides = array<i32>} : memref<103680xi32, #tpu.memory_space<vmem>>, vector<16xi32>,
      %gather3A_73 = tpu.vector_load_idx %arg12[%get3A_72] : memref<96xf32, #tpu.memory_space<vmem>>[vector<16xi32>], vector<16xf32>,
      %add3A_74 = arith.addf %add3A_66, %gather3A_73 : vector<16xf32>
      %mul3A_75 = arith.constant 16 : i32
      %mul3A_76 = arith.muli %scan3A_16, %mul3A_75 : i32
      %add3A_77 = arith.constant 80640 : i32
      %add3A_78 = arith.addi %add3A_77, %mul3A_76 : i32
      %get3A_79 = arith.index_cast %add3A_78 : i32 to index
      %get3A_80 = tpu.vector_load %arg11[%get3A_79] {strides = array<i32>} : memref<103680xi32, #tpu.memory_space<vmem>>, vector<16xi32>,
      %gather3A_81 = tpu.vector_load_idx %arg12[%get3A_80] : memref<96xf32, #tpu.memory_space<vmem>>[vector<16xi32>], vector<16xf32>,
      %add3A_82 = arith.addf %add3A_74, %gather3A_81 : vector<16xf32>
      %mul3A_83 = arith.constant 16 : i32
      %mul3A_84 = arith.muli %scan3A_16, %mul3A_83 : i32
      %add3A_85 = arith.constant 92160 : i32
      %add3A_86 = arith.addi %add3A_85, %mul3A_84 : i32
      %get3A_87 = arith.index_cast %add3A_86 : i32 to index
      %get3A_88 = tpu.vector_load %arg11[%get3A_87] {strides = array<i32>} : memref<103680xi32, #tpu.memory_space<vmem>>, vector<16xi32>,
      %gather3A_89 = tpu.vector_load_idx %arg12[%get3A_88] : memref<96xf32, #tpu.memory_space<vmem>>[vector<16xi32>], vector<16xf32>,
      %add3A_90 = arith.addf %add3A_82, %gather3A_89 : vector<16xf32>
      %mul3A_91 = arith.constant 16 : i32
      %mul3A_92 = arith.muli %scan3A_16, %mul3A_91 : i32
      %add3A_93 = arith.addi %mul3A_2, %mul3A_92 : i32
      %add3A_94 = vector.broadcast %add3A_93 : i32 to vector<16xi32>
      %add3A_95 = arith.addi %add3A_94, %iota3A : vector<16xi32>
      %gt3A = arith.cmpf ogt, %add3A_90, %scan3A_17 : vector<16xf32>
      %select_n3A = arith.select %gt3A, %add3A_90, %scan3A_17 : vector<16xi1>, vector<16xf32>
      %select_n3A_96 = arith.select %gt3A, %add3A_95, %scan3A_18 : vector<16xi1>, vector<16xi32>
      scf.yield %select_n3A, %select_n3A_96 : vector<16xf32>, vector<16xi32>
    }
    %scan3A_10 = arith.constant 720 : i32
    %swap3A = arith.constant 0 : index
    %swap3A_11 = tpu.vector_load %arg15[%swap3A] {strides = array<i32>} : memref<16xf32, #tpu.memory_space<vmem>>, vector<16xf32>,
    tpu.vector_store %arg15[%swap3A], %scan3A_9#0 {strides = array<i32>} : memref<16xf32, #tpu.memory_space<vmem>>, vector<16xf32>,
    %swap3A_12 = arith.constant 0 : index
    %swap3A_13 = tpu.vector_load %arg16[%swap3A_12] {strides = array<i32>} : memref<16xi32, #tpu.memory_space<vmem>>, vector<16xi32>,
    tpu.vector_store %arg16[%swap3A_12], %scan3A_9#1 {strides = array<i32>} : memref<16xi32, #tpu.memory_space<vmem>>, vector<16xi32>,
    "tpu.region"() ({
      %run_scoped3A = tpu.sem_alloc : memref<!tpu.dma_semaphore, #tpu.memory_space<semaphore_mem>>
      %dma_start3A = arith.constant 0 : i32
      %dma_start3A_16 = tpu.memref_slice %arg13[%add3A, %dma_start3A] : memref<32x16xf32, #tpu.memory_space<vmem_shared>> -> memref<1x16xf32, #tpu.memory_space<vmem_shared>>
      %dma_start3A_17 = tpu.memref_squeeze %dma_start3A_16 : memref<1x16xf32, #tpu.memory_space<vmem_shared>> -> memref<16xf32, #tpu.memory_space<vmem_shared>>
      %dma_start3A_18 = arith.constant 0 : i32
      %dma_start3A_19 = tpu.memref_slice %arg13[%add3A, %dma_start3A_18] : memref<32x16xf32, #tpu.memory_space<vmem_shared>> -> memref<1x16xf32, #tpu.memory_space<vmem_shared>>
      %dma_start3A_20 = tpu.memref_squeeze %dma_start3A_19 : memref<1x16xf32, #tpu.memory_space<vmem_shared>> -> memref<16xf32, #tpu.memory_space<vmem_shared>>
      tpu.enqueue_dma source(%arg15 : memref<16xf32, #tpu.memory_space<vmem>>) target(%dma_start3A_20 : memref<16xf32, #tpu.memory_space<vmem_shared>>) target_semaphore(%run_scoped3A : memref<!tpu.dma_semaphore, #tpu.memory_space<semaphore_mem>>)
      %dma_wait3A = arith.constant 0 : i32
      %dma_wait3A_21 = tpu.memref_slice %arg13[%add3A, %dma_wait3A] : memref<32x16xf32, #tpu.memory_space<vmem_shared>> -> memref<1x16xf32, #tpu.memory_space<vmem_shared>>
      %dma_wait3A_22 = tpu.memref_squeeze %dma_wait3A_21 : memref<1x16xf32, #tpu.memory_space<vmem_shared>> -> memref<16xf32, #tpu.memory_space<vmem_shared>>
      %dma_wait3A_23 = arith.constant 0 : i32
      %dma_wait3A_24 = tpu.memref_slice %arg13[%add3A, %dma_wait3A_23] : memref<32x16xf32, #tpu.memory_space<vmem_shared>> -> memref<1x16xf32, #tpu.memory_space<vmem_shared>>
      %dma_wait3A_25 = tpu.memref_squeeze %dma_wait3A_24 : memref<1x16xf32, #tpu.memory_space<vmem_shared>> -> memref<16xf32, #tpu.memory_space<vmem_shared>>
      tpu.wait_dma2 semaphore(%run_scoped3A : memref<!tpu.dma_semaphore, #tpu.memory_space<semaphore_mem>>) src(%arg15 : memref<16xf32, #tpu.memory_space<vmem>>) dst(%dma_wait3A_25 : memref<16xf32, #tpu.memory_space<vmem_shared>>)
      tpu.yield
    }) : () -> ()
    "tpu.region"() ({
      %run_scoped3A = tpu.sem_alloc : memref<!tpu.dma_semaphore, #tpu.memory_space<semaphore_mem>>
      %dma_start3A = arith.constant 0 : i32
      %dma_start3A_16 = tpu.memref_slice %arg14[%add3A, %dma_start3A] : memref<32x16xi32, #tpu.memory_space<vmem_shared>> -> memref<1x16xi32, #tpu.memory_space<vmem_shared>>
      %dma_start3A_17 = tpu.memref_squeeze %dma_start3A_16 : memref<1x16xi32, #tpu.memory_space<vmem_shared>> -> memref<16xi32, #tpu.memory_space<vmem_shared>>
      %dma_start3A_18 = arith.constant 0 : i32
      %dma_start3A_19 = tpu.memref_slice %arg14[%add3A, %dma_start3A_18] : memref<32x16xi32, #tpu.memory_space<vmem_shared>> -> memref<1x16xi32, #tpu.memory_space<vmem_shared>>
      %dma_start3A_20 = tpu.memref_squeeze %dma_start3A_19 : memref<1x16xi32, #tpu.memory_space<vmem_shared>> -> memref<16xi32, #tpu.memory_space<vmem_shared>>
      tpu.enqueue_dma source(%arg16 : memref<16xi32, #tpu.memory_space<vmem>>) target(%dma_start3A_20 : memref<16xi32, #tpu.memory_space<vmem_shared>>) target_semaphore(%run_scoped3A : memref<!tpu.dma_semaphore, #tpu.memory_space<semaphore_mem>>)
      %dma_wait3A = arith.constant 0 : i32
      %dma_wait3A_21 = tpu.memref_slice %arg14[%add3A, %dma_wait3A] : memref<32x16xi32, #tpu.memory_space<vmem_shared>> -> memref<1x16xi32, #tpu.memory_space<vmem_shared>>
      %dma_wait3A_22 = tpu.memref_squeeze %dma_wait3A_21 : memref<1x16xi32, #tpu.memory_space<vmem_shared>> -> memref<16xi32, #tpu.memory_space<vmem_shared>>
      %dma_wait3A_23 = arith.constant 0 : i32
      %dma_wait3A_24 = tpu.memref_slice %arg14[%add3A, %dma_wait3A_23] : memref<32x16xi32, #tpu.memory_space<vmem_shared>> -> memref<1x16xi32, #tpu.memory_space<vmem_shared>>
      %dma_wait3A_25 = tpu.memref_squeeze %dma_wait3A_24 : memref<1x16xi32, #tpu.memory_space<vmem_shared>> -> memref<16xi32, #tpu.memory_space<vmem_shared>>
      tpu.wait_dma2 semaphore(%run_scoped3A : memref<!tpu.dma_semaphore, #tpu.memory_space<semaphore_mem>>) src(%arg16 : memref<16xi32, #tpu.memory_space<vmem>>) dst(%dma_wait3A_25 : memref<16xi32, #tpu.memory_space<vmem_shared>>)
      tpu.yield
    }) : () -> ()
    %barrier3A = arith.constant 0 : index
    tpu.barrier barrier_id(%barrier3A)
    %eq3A = arith.constant 0 : i32
    %eq3A_14 = arith.cmpi eq, %add3A, %eq3A : i32
    %convert_element_type3A = arith.extui %eq3A_14 : i1 to i32
    %cond3A = arith.constant 0 : i32
    %cond3A_15 = arith.cmpi ne, %convert_element_type3A, %cond3A : i32
    scf.if %cond3A_15 {
      %broadcast_in_dim3A_16 = arith.constant 0xFF800000 : f32
      %broadcast_in_dim3A_17 = vector.broadcast %broadcast_in_dim3A_16 : f32 to vector<16xf32>
      %broadcast_in_dim3A_18 = arith.constant 1073741824 : i32
      %broadcast_in_dim3A_19 = vector.broadcast %broadcast_in_dim3A_18 : i32 to vector<16xi32>
      %scan3A_20 = arith.constant 0 : i32
      %scan3A_21 = arith.constant 32 : i32
      %scan3A_22 = arith.addi %scan3A_20, %scan3A_21 : i32
      %scan3A_23 = arith.constant 1 : i32
      %scan3A_24:2 = scf.for %scan3A_644 = %scan3A_20 to %scan3A_22 step %scan3A_23 iter_args(%scan3A_645 = %broadcast_in_dim3A_17, %scan3A_646 = %broadcast_in_dim3A_19) -> (vector<16xf32>, vector<16xi32>)  : i32 {
        "tpu.region"() ({
          %run_scoped3A = tpu.sem_alloc : memref<!tpu.dma_semaphore, #tpu.memory_space<semaphore_mem>>
          %dma_start3A = arith.constant 0 : i32
          %dma_start3A_656 = tpu.memref_slice %arg13[%scan3A_644, %dma_start3A] : memref<32x16xf32, #tpu.memory_space<vmem_shared>> -> memref<1x16xf32, #tpu.memory_space<vmem_shared>>
          %dma_start3A_657 = tpu.memref_squeeze %dma_start3A_656 : memref<1x16xf32, #tpu.memory_space<vmem_shared>> -> memref<16xf32, #tpu.memory_space<vmem_shared>>
          %dma_start3A_658 = arith.constant 0 : i32
          %dma_start3A_659 = tpu.memref_slice %arg13[%scan3A_644, %dma_start3A_658] : memref<32x16xf32, #tpu.memory_space<vmem_shared>> -> memref<1x16xf32, #tpu.memory_space<vmem_shared>>
          %dma_start3A_660 = tpu.memref_squeeze %dma_start3A_659 : memref<1x16xf32, #tpu.memory_space<vmem_shared>> -> memref<16xf32, #tpu.memory_space<vmem_shared>>
          tpu.enqueue_dma source(%dma_start3A_660 : memref<16xf32, #tpu.memory_space<vmem_shared>>) target(%arg15 : memref<16xf32, #tpu.memory_space<vmem>>) target_semaphore(%run_scoped3A : memref<!tpu.dma_semaphore, #tpu.memory_space<semaphore_mem>>)
          %dma_wait3A = arith.constant 0 : i32
          %dma_wait3A_661 = tpu.memref_slice %arg13[%scan3A_644, %dma_wait3A] : memref<32x16xf32, #tpu.memory_space<vmem_shared>> -> memref<1x16xf32, #tpu.memory_space<vmem_shared>>
          %dma_wait3A_662 = tpu.memref_squeeze %dma_wait3A_661 : memref<1x16xf32, #tpu.memory_space<vmem_shared>> -> memref<16xf32, #tpu.memory_space<vmem_shared>>
          %dma_wait3A_663 = arith.constant 0 : i32
          %dma_wait3A_664 = tpu.memref_slice %arg13[%scan3A_644, %dma_wait3A_663] : memref<32x16xf32, #tpu.memory_space<vmem_shared>> -> memref<1x16xf32, #tpu.memory_space<vmem_shared>>
          %dma_wait3A_665 = tpu.memref_squeeze %dma_wait3A_664 : memref<1x16xf32, #tpu.memory_space<vmem_shared>> -> memref<16xf32, #tpu.memory_space<vmem_shared>>
          tpu.wait_dma2 semaphore(%run_scoped3A : memref<!tpu.dma_semaphore, #tpu.memory_space<semaphore_mem>>) src(%dma_wait3A_665 : memref<16xf32, #tpu.memory_space<vmem_shared>>) dst(%arg15 : memref<16xf32, #tpu.memory_space<vmem>>)
          tpu.yield
        }) : () -> ()
        "tpu.region"() ({
          %run_scoped3A = tpu.sem_alloc : memref<!tpu.dma_semaphore, #tpu.memory_space<semaphore_mem>>
          %dma_start3A = arith.constant 0 : i32
          %dma_start3A_656 = tpu.memref_slice %arg14[%scan3A_644, %dma_start3A] : memref<32x16xi32, #tpu.memory_space<vmem_shared>> -> memref<1x16xi32, #tpu.memory_space<vmem_shared>>
          %dma_start3A_657 = tpu.memref_squeeze %dma_start3A_656 : memref<1x16xi32, #tpu.memory_space<vmem_shared>> -> memref<16xi32, #tpu.memory_space<vmem_shared>>
          %dma_start3A_658 = arith.constant 0 : i32
          %dma_start3A_659 = tpu.memref_slice %arg14[%scan3A_644, %dma_start3A_658] : memref<32x16xi32, #tpu.memory_space<vmem_shared>> -> memref<1x16xi32, #tpu.memory_space<vmem_shared>>
          %dma_start3A_660 = tpu.memref_squeeze %dma_start3A_659 : memref<1x16xi32, #tpu.memory_space<vmem_shared>> -> memref<16xi32, #tpu.memory_space<vmem_shared>>
          tpu.enqueue_dma source(%dma_start3A_660 : memref<16xi32, #tpu.memory_space<vmem_shared>>) target(%arg16 : memref<16xi32, #tpu.memory_space<vmem>>) target_semaphore(%run_scoped3A : memref<!tpu.dma_semaphore, #tpu.memory_space<semaphore_mem>>)
          %dma_wait3A = arith.constant 0 : i32
          %dma_wait3A_661 = tpu.memref_slice %arg14[%scan3A_644, %dma_wait3A] : memref<32x16xi32, #tpu.memory_space<vmem_shared>> -> memref<1x16xi32, #tpu.memory_space<vmem_shared>>
          %dma_wait3A_662 = tpu.memref_squeeze %dma_wait3A_661 : memref<1x16xi32, #tpu.memory_space<vmem_shared>> -> memref<16xi32, #tpu.memory_space<vmem_shared>>
          %dma_wait3A_663 = arith.constant 0 : i32
          %dma_wait3A_664 = tpu.memref_slice %arg14[%scan3A_644, %dma_wait3A_663] : memref<32x16xi32, #tpu.memory_space<vmem_shared>> -> memref<1x16xi32, #tpu.memory_space<vmem_shared>>
          %dma_wait3A_665 = tpu.memref_squeeze %dma_wait3A_664 : memref<1x16xi32, #tpu.memory_space<vmem_shared>> -> memref<16xi32, #tpu.memory_space<vmem_shared>>
          tpu.wait_dma2 semaphore(%run_scoped3A : memref<!tpu.dma_semaphore, #tpu.memory_space<semaphore_mem>>) src(%dma_wait3A_665 : memref<16xi32, #tpu.memory_space<vmem_shared>>) dst(%arg16 : memref<16xi32, #tpu.memory_space<vmem>>)
          tpu.yield
        }) : () -> ()
        %get3A_647 = arith.constant 0 : index
        %get3A_648 = tpu.vector_load %arg15[%get3A_647] {strides = array<i32>} : memref<16xf32, #tpu.memory_space<vmem>>, vector<16xf32>,
        %get3A_649 = arith.constant 0 : index
        %get3A_650 = tpu.vector_load %arg16[%get3A_649] {strides = array<i32>} : memref<16xi32, #tpu.memory_space<vmem>>, vector<16xi32>,
        %gt3A = arith.cmpf ogt, %get3A_648, %scan3A_645 : vector<16xf32>
        %eq3A_651 = arith.cmpf oeq, %get3A_648, %scan3A_645 : vector<16xf32>
        %lt3A_652 = arith.cmpi slt, %get3A_650, %scan3A_646 : vector<16xi32>
        %and3A_653 = arith.andi %eq3A_651, %lt3A_652 : vector<16xi1>
        %or3A = arith.ori %gt3A, %and3A_653 : vector<16xi1>
        %select_n3A_654 = arith.select %or3A, %get3A_648, %scan3A_645 : vector<16xi1>, vector<16xf32>
        %select_n3A_655 = arith.select %or3A, %get3A_650, %scan3A_646 : vector<16xi1>, vector<16xi32>
        scf.yield %select_n3A_654, %select_n3A_655 : vector<16xf32>, vector<16xi32>
      }
      %scan3A_25 = arith.constant 32 : i32
      %reduce_max3A = arith.constant true
      %reduce_max3A_26 = vector.broadcast %reduce_max3A : i1 to vector<16xi1>
      %reduce_max3A_27 = tpu.scan <max>, %scan3A_24#0 masked %reduce_max3A_26 : vector<16xf32>, vector<16xi1> -> vector<16xf32>
      %reduce_max3A_28 = vector.extract %reduce_max3A_27[15] : f32 from vector<16xf32>
      %eq3A_29 = vector.broadcast %reduce_max3A_28 : f32 to vector<16xf32>
      %eq3A_30 = arith.cmpf oeq, %scan3A_24#0, %eq3A_29 : vector<16xf32>
      %jit3A = arith.constant 1073741824 : i32
      %broadcast_in_dim3A_31 = vector.broadcast %jit3A : i32 to vector<16xi32>
      %select_n3A = arith.select %eq3A_30, %scan3A_24#1, %broadcast_in_dim3A_31 : vector<16xi1>, vector<16xi32>
      %reduce_min3A = arith.constant true
      %reduce_min3A_32 = vector.broadcast %reduce_min3A : i1 to vector<16xi1>
      %reduce_min3A_33 = arith.constant -2147483648 : i32
      %reduce_min3A_34 = vector.broadcast %reduce_min3A_33 : i32 to vector<16xi32>
      %reduce_min3A_35 = arith.xori %select_n3A, %reduce_min3A_34 : vector<16xi32>
      %reduce_min3A_36 = tpu.scan <min>, %reduce_min3A_35 masked %reduce_min3A_32 : vector<16xi32>, vector<16xi1> -> vector<16xi32>
      %reduce_min3A_37 = arith.xori %reduce_min3A_36, %reduce_min3A_34 : vector<16xi32>
      %reduce_min3A_38 = vector.extract %reduce_min3A_37[15] : i32 from vector<16xi32>
      %swap3A_39 = arith.constant 0 : index
      %swap3A_40 = tpu.vector_load %arg17[%swap3A_39] {strides = array<i32>} : memref<16xi32, #tpu.memory_space<vmem>>, vector<16xi32>,
      tpu.vector_store %arg17[%swap3A_39], %iota3A {strides = array<i32>} : memref<16xi32, #tpu.memory_space<vmem>>, vector<16xi32>,
      %broadcast_in_dim3A_41 = arith.constant 0 : i32
      %broadcast_in_dim3A_42 = vector.broadcast %broadcast_in_dim3A_41 : i32 to vector<16xi32>
      %jit3A_43 = arith.constant 40320 : i32
      %div3A = arith.divsi %reduce_min3A_38, %jit3A_43 : i32
      %sign3A = arith.constant 0 : i32
      %sign3A_44 = arith.cmpi sgt, %reduce_min3A_38, %sign3A : i32
      %sign3A_45 = arith.extui %sign3A_44 : i1 to i32
      %sign3A_46 = arith.constant 0 : i32
      %sign3A_47 = arith.cmpi slt, %reduce_min3A_38, %sign3A_46 : i32
      %sign3A_48 = arith.extui %sign3A_47 : i1 to i32
      %sign3A_49 = arith.subi %sign3A_45, %sign3A_48 : i32
      %sign3A_50 = arith.constant 0 : i32
      %sign3A_51 = arith.cmpi sgt, %jit3A_43, %sign3A_50 : i32
      %sign3A_52 = arith.extui %sign3A_51 : i1 to i32
      %sign3A_53 = arith.constant 0 : i32
      %sign3A_54 = arith.cmpi slt, %jit3A_43, %sign3A_53 : i32
      %sign3A_55 = arith.extui %sign3A_54 : i1 to i32
      %sign3A_56 = arith.subi %sign3A_52, %sign3A_55 : i32
      %ne3A = arith.cmpi ne, %sign3A_49, %sign3A_56 : i32
      %rem3A = arith.remsi %reduce_min3A_38, %jit3A_43 : i32
      %ne3A_57 = arith.constant 0 : i32
      %ne3A_58 = arith.cmpi ne, %rem3A, %ne3A_57 : i32
      %and3A = arith.andi %ne3A, %ne3A_58 : i1
      %sub3A = arith.constant 1 : i32
      %sub3A_59 = arith.subi %div3A, %sub3A : i32
      %select_n3A_60 = arith.select %and3A, %sub3A_59, %div3A : i32
      %mul3A_61 = arith.constant 40320 : i32
      %mul3A_62 = arith.muli %select_n3A_60, %mul3A_61 : i32
      %sub3A_63 = arith.subi %reduce_min3A_38, %mul3A_62 : i32
      %get3A = arith.constant 0 : index
      %get3A_64 = tpu.vector_load %arg17[%get3A] {strides = array<i32>} : memref<16xi32, #tpu.memory_space<vmem>>, vector<16xi32>,
      %eq3A_65 = vector.broadcast %select_n3A_60 : i32 to vector<16xi32>
      %eq3A_66 = arith.cmpi eq, %iota3A, %eq3A_65 : vector<16xi32>
      %jit3A_67 = arith.constant 0 : i32
      %broadcast_in_dim3A_68 = vector.broadcast %jit3A_67 : i32 to vector<16xi32>
      %select_n3A_69 = arith.select %eq3A_66, %get3A_64, %broadcast_in_dim3A_68 : vector<16xi1>, vector<16xi32>
      %reduce_sum3A = arith.constant true
      %reduce_sum3A_70 = vector.broadcast %reduce_sum3A : i1 to vector<16xi1>
      %reduce_sum3A_71 = tpu.scan <sum>, %select_n3A_69 masked %reduce_sum3A_70 : vector<16xi32>, vector<16xi1> -> vector<16xi32>
      %reduce_sum3A_72 = vector.extract %reduce_sum3A_71[15] : i32 from vector<16xi32>
      %eq3A_73 = arith.constant 0 : i32
      %eq3A_74 = vector.broadcast %eq3A_73 : i32 to vector<16xi32>
      %eq3A_75 = arith.cmpi eq, %iota3A, %eq3A_74 : vector<16xi32>
      %broadcast_in_dim3A_76 = vector.broadcast %reduce_sum3A_72 : i32 to vector<16xi32>
      %select_n3A_77 = arith.select %eq3A_75, %broadcast_in_dim3A_76, %broadcast_in_dim3A_42 : vector<16xi1>, vector<16xi32>
      %add3A_78 = arith.constant 1 : i32
      %add3A_79 = vector.broadcast %add3A_78 : i32 to vector<16xi32>
      %add3A_80 = arith.addi %iota3A, %add3A_79 : vector<16xi32>
      %min3A = arith.constant 15 : i32
      %min3A_81 = vector.broadcast %min3A : i32 to vector<16xi32>
      %min3A_82 = arith.minsi %add3A_80, %min3A_81 : vector<16xi32>
      %gather3A = tpu.vector_load_idx %arg17[%min3A_82] : memref<16xi32, #tpu.memory_space<vmem>>[vector<16xi32>], vector<16xi32>,
      %ge3A = vector.broadcast %select_n3A_60 : i32 to vector<16xi32>
      %ge3A_83 = arith.cmpi sge, %iota3A, %ge3A : vector<16xi32>
      %select_n3A_84 = arith.select %ge3A_83, %gather3A, %get3A_64 : vector<16xi1>, vector<16xi32>
      %swap3A_85 = arith.constant 0 : index
      %swap3A_86 = tpu.vector_load %arg17[%swap3A_85] {strides = array<i32>} : memref<16xi32, #tpu.memory_space<vmem>>, vector<16xi32>,
      tpu.vector_store %arg17[%swap3A_85], %select_n3A_84 {strides = array<i32>} : memref<16xi32, #tpu.memory_space<vmem>>, vector<16xi32>,
      %jit3A_87 = arith.constant 5040 : i32
      %div3A_88 = arith.divsi %sub3A_63, %jit3A_87 : i32
      %sign3A_89 = arith.constant 0 : i32
      %sign3A_90 = arith.cmpi sgt, %sub3A_63, %sign3A_89 : i32
      %sign3A_91 = arith.extui %sign3A_90 : i1 to i32
      %sign3A_92 = arith.constant 0 : i32
      %sign3A_93 = arith.cmpi slt, %sub3A_63, %sign3A_92 : i32
      %sign3A_94 = arith.extui %sign3A_93 : i1 to i32
      %sign3A_95 = arith.subi %sign3A_91, %sign3A_94 : i32
      %sign3A_96 = arith.constant 0 : i32
      %sign3A_97 = arith.cmpi sgt, %jit3A_87, %sign3A_96 : i32
      %sign3A_98 = arith.extui %sign3A_97 : i1 to i32
      %sign3A_99 = arith.constant 0 : i32
      %sign3A_100 = arith.cmpi slt, %jit3A_87, %sign3A_99 : i32
      %sign3A_101 = arith.extui %sign3A_100 : i1 to i32
      %sign3A_102 = arith.subi %sign3A_98, %sign3A_101 : i32
      %ne3A_103 = arith.cmpi ne, %sign3A_95, %sign3A_102 : i32
      %rem3A_104 = arith.remsi %sub3A_63, %jit3A_87 : i32
      %ne3A_105 = arith.constant 0 : i32
      %ne3A_106 = arith.cmpi ne, %rem3A_104, %ne3A_105 : i32
      %and3A_107 = arith.andi %ne3A_103, %ne3A_106 : i1
      %sub3A_108 = arith.constant 1 : i32
      %sub3A_109 = arith.subi %div3A_88, %sub3A_108 : i32
      %select_n3A_110 = arith.select %and3A_107, %sub3A_109, %div3A_88 : i32
      %mul3A_111 = arith.constant 5040 : i32
      %mul3A_112 = arith.muli %select_n3A_110, %mul3A_111 : i32
      %sub3A_113 = arith.subi %sub3A_63, %mul3A_112 : i32
      %get3A_114 = arith.constant 0 : index
      %get3A_115 = tpu.vector_load %arg17[%get3A_114] {strides = array<i32>} : memref<16xi32, #tpu.memory_space<vmem>>, vector<16xi32>,
      %eq3A_116 = vector.broadcast %select_n3A_110 : i32 to vector<16xi32>
      %eq3A_117 = arith.cmpi eq, %iota3A, %eq3A_116 : vector<16xi32>
      %jit3A_118 = arith.constant 0 : i32
      %broadcast_in_dim3A_119 = vector.broadcast %jit3A_118 : i32 to vector<16xi32>
      %select_n3A_120 = arith.select %eq3A_117, %get3A_115, %broadcast_in_dim3A_119 : vector<16xi1>, vector<16xi32>
      %reduce_sum3A_121 = arith.constant true
      %reduce_sum3A_122 = vector.broadcast %reduce_sum3A_121 : i1 to vector<16xi1>
      %reduce_sum3A_123 = tpu.scan <sum>, %select_n3A_120 masked %reduce_sum3A_122 : vector<16xi32>, vector<16xi1> -> vector<16xi32>
      %reduce_sum3A_124 = vector.extract %reduce_sum3A_123[15] : i32 from vector<16xi32>
      %eq3A_125 = arith.constant 1 : i32
      %eq3A_126 = vector.broadcast %eq3A_125 : i32 to vector<16xi32>
      %eq3A_127 = arith.cmpi eq, %iota3A, %eq3A_126 : vector<16xi32>
      %broadcast_in_dim3A_128 = vector.broadcast %reduce_sum3A_124 : i32 to vector<16xi32>
      %select_n3A_129 = arith.select %eq3A_127, %broadcast_in_dim3A_128, %select_n3A_77 : vector<16xi1>, vector<16xi32>
      %add3A_130 = arith.constant 1 : i32
      %add3A_131 = vector.broadcast %add3A_130 : i32 to vector<16xi32>
      %add3A_132 = arith.addi %iota3A, %add3A_131 : vector<16xi32>
      %min3A_133 = arith.constant 15 : i32
      %min3A_134 = vector.broadcast %min3A_133 : i32 to vector<16xi32>
      %min3A_135 = arith.minsi %add3A_132, %min3A_134 : vector<16xi32>
      %gather3A_136 = tpu.vector_load_idx %arg17[%min3A_135] : memref<16xi32, #tpu.memory_space<vmem>>[vector<16xi32>], vector<16xi32>,
      %ge3A_137 = vector.broadcast %select_n3A_110 : i32 to vector<16xi32>
      %ge3A_138 = arith.cmpi sge, %iota3A, %ge3A_137 : vector<16xi32>
      %select_n3A_139 = arith.select %ge3A_138, %gather3A_136, %get3A_115 : vector<16xi1>, vector<16xi32>
      %swap3A_140 = arith.constant 0 : index
      %swap3A_141 = tpu.vector_load %arg17[%swap3A_140] {strides = array<i32>} : memref<16xi32, #tpu.memory_space<vmem>>, vector<16xi32>,
      tpu.vector_store %arg17[%swap3A_140], %select_n3A_139 {strides = array<i32>} : memref<16xi32, #tpu.memory_space<vmem>>, vector<16xi32>,
      %jit3A_142 = arith.constant 720 : i32
      %div3A_143 = arith.divsi %sub3A_113, %jit3A_142 : i32
      %sign3A_144 = arith.constant 0 : i32
      %sign3A_145 = arith.cmpi sgt, %sub3A_113, %sign3A_144 : i32
      %sign3A_146 = arith.extui %sign3A_145 : i1 to i32
      %sign3A_147 = arith.constant 0 : i32
      %sign3A_148 = arith.cmpi slt, %sub3A_113, %sign3A_147 : i32
      %sign3A_149 = arith.extui %sign3A_148 : i1 to i32
      %sign3A_150 = arith.subi %sign3A_146, %sign3A_149 : i32
      %sign3A_151 = arith.constant 0 : i32
      %sign3A_152 = arith.cmpi sgt, %jit3A_142, %sign3A_151 : i32
      %sign3A_153 = arith.extui %sign3A_152 : i1 to i32
      %sign3A_154 = arith.constant 0 : i32
      %sign3A_155 = arith.cmpi slt, %jit3A_142, %sign3A_154 : i32
      %sign3A_156 = arith.extui %sign3A_155 : i1 to i32
      %sign3A_157 = arith.subi %sign3A_153, %sign3A_156 : i32
      %ne3A_158 = arith.cmpi ne, %sign3A_150, %sign3A_157 : i32
      %rem3A_159 = arith.remsi %sub3A_113, %jit3A_142 : i32
      %ne3A_160 = arith.constant 0 : i32
      %ne3A_161 = arith.cmpi ne, %rem3A_159, %ne3A_160 : i32
      %and3A_162 = arith.andi %ne3A_158, %ne3A_161 : i1
      %sub3A_163 = arith.constant 1 : i32
      %sub3A_164 = arith.subi %div3A_143, %sub3A_163 : i32
      %select_n3A_165 = arith.select %and3A_162, %sub3A_164, %div3A_143 : i32
      %mul3A_166 = arith.constant 720 : i32
      %mul3A_167 = arith.muli %select_n3A_165, %mul3A_166 : i32
      %sub3A_168 = arith.subi %sub3A_113, %mul3A_167 : i32
      %get3A_169 = arith.constant 0 : index
      %get3A_170 = tpu.vector_load %arg17[%get3A_169] {strides = array<i32>} : memref<16xi32, #tpu.memory_space<vmem>>, vector<16xi32>,
      %eq3A_171 = vector.broadcast %select_n3A_165 : i32 to vector<16xi32>
      %eq3A_172 = arith.cmpi eq, %iota3A, %eq3A_171 : vector<16xi32>
      %jit3A_173 = arith.constant 0 : i32
      %broadcast_in_dim3A_174 = vector.broadcast %jit3A_173 : i32 to vector<16xi32>
      %select_n3A_175 = arith.select %eq3A_172, %get3A_170, %broadcast_in_dim3A_174 : vector<16xi1>, vector<16xi32>
      %reduce_sum3A_176 = arith.constant true
      %reduce_sum3A_177 = vector.broadcast %reduce_sum3A_176 : i1 to vector<16xi1>
      %reduce_sum3A_178 = tpu.scan <sum>, %select_n3A_175 masked %reduce_sum3A_177 : vector<16xi32>, vector<16xi1> -> vector<16xi32>
      %reduce_sum3A_179 = vector.extract %reduce_sum3A_178[15] : i32 from vector<16xi32>
      %eq3A_180 = arith.constant 2 : i32
      %eq3A_181 = vector.broadcast %eq3A_180 : i32 to vector<16xi32>
      %eq3A_182 = arith.cmpi eq, %iota3A, %eq3A_181 : vector<16xi32>
      %broadcast_in_dim3A_183 = vector.broadcast %reduce_sum3A_179 : i32 to vector<16xi32>
      %select_n3A_184 = arith.select %eq3A_182, %broadcast_in_dim3A_183, %select_n3A_129 : vector<16xi1>, vector<16xi32>
      %add3A_185 = arith.constant 1 : i32
      %add3A_186 = vector.broadcast %add3A_185 : i32 to vector<16xi32>
      %add3A_187 = arith.addi %iota3A, %add3A_186 : vector<16xi32>
      %min3A_188 = arith.constant 15 : i32
      %min3A_189 = vector.broadcast %min3A_188 : i32 to vector<16xi32>
      %min3A_190 = arith.minsi %add3A_187, %min3A_189 : vector<16xi32>
      %gather3A_191 = tpu.vector_load_idx %arg17[%min3A_190] : memref<16xi32, #tpu.memory_space<vmem>>[vector<16xi32>], vector<16xi32>,
      %ge3A_192 = vector.broadcast %select_n3A_165 : i32 to vector<16xi32>
      %ge3A_193 = arith.cmpi sge, %iota3A, %ge3A_192 : vector<16xi32>
      %select_n3A_194 = arith.select %ge3A_193, %gather3A_191, %get3A_170 : vector<16xi1>, vector<16xi32>
      %swap3A_195 = arith.constant 0 : index
      %swap3A_196 = tpu.vector_load %arg17[%swap3A_195] {strides = array<i32>} : memref<16xi32, #tpu.memory_space<vmem>>, vector<16xi32>,
      tpu.vector_store %arg17[%swap3A_195], %select_n3A_194 {strides = array<i32>} : memref<16xi32, #tpu.memory_space<vmem>>, vector<16xi32>,
      %jit3A_197 = arith.constant 120 : i32
      %div3A_198 = arith.divsi %sub3A_168, %jit3A_197 : i32
      %sign3A_199 = arith.constant 0 : i32
      %sign3A_200 = arith.cmpi sgt, %sub3A_168, %sign3A_199 : i32
      %sign3A_201 = arith.extui %sign3A_200 : i1 to i32
      %sign3A_202 = arith.constant 0 : i32
      %sign3A_203 = arith.cmpi slt, %sub3A_168, %sign3A_202 : i32
      %sign3A_204 = arith.extui %sign3A_203 : i1 to i32
      %sign3A_205 = arith.subi %sign3A_201, %sign3A_204 : i32
      %sign3A_206 = arith.constant 0 : i32
      %sign3A_207 = arith.cmpi sgt, %jit3A_197, %sign3A_206 : i32
      %sign3A_208 = arith.extui %sign3A_207 : i1 to i32
      %sign3A_209 = arith.constant 0 : i32
      %sign3A_210 = arith.cmpi slt, %jit3A_197, %sign3A_209 : i32
      %sign3A_211 = arith.extui %sign3A_210 : i1 to i32
      %sign3A_212 = arith.subi %sign3A_208, %sign3A_211 : i32
      %ne3A_213 = arith.cmpi ne, %sign3A_205, %sign3A_212 : i32
      %rem3A_214 = arith.remsi %sub3A_168, %jit3A_197 : i32
      %ne3A_215 = arith.constant 0 : i32
      %ne3A_216 = arith.cmpi ne, %rem3A_214, %ne3A_215 : i32
      %and3A_217 = arith.andi %ne3A_213, %ne3A_216 : i1
      %sub3A_218 = arith.constant 1 : i32
      %sub3A_219 = arith.subi %div3A_198, %sub3A_218 : i32
      %select_n3A_220 = arith.select %and3A_217, %sub3A_219, %div3A_198 : i32
      %mul3A_221 = arith.constant 120 : i32
      %mul3A_222 = arith.muli %select_n3A_220, %mul3A_221 : i32
      %sub3A_223 = arith.subi %sub3A_168, %mul3A_222 : i32
      %get3A_224 = arith.constant 0 : index
      %get3A_225 = tpu.vector_load %arg17[%get3A_224] {strides = array<i32>} : memref<16xi32, #tpu.memory_space<vmem>>, vector<16xi32>,
      %eq3A_226 = vector.broadcast %select_n3A_220 : i32 to vector<16xi32>
      %eq3A_227 = arith.cmpi eq, %iota3A, %eq3A_226 : vector<16xi32>
      %jit3A_228 = arith.constant 0 : i32
      %broadcast_in_dim3A_229 = vector.broadcast %jit3A_228 : i32 to vector<16xi32>
      %select_n3A_230 = arith.select %eq3A_227, %get3A_225, %broadcast_in_dim3A_229 : vector<16xi1>, vector<16xi32>
      %reduce_sum3A_231 = arith.constant true
      %reduce_sum3A_232 = vector.broadcast %reduce_sum3A_231 : i1 to vector<16xi1>
      %reduce_sum3A_233 = tpu.scan <sum>, %select_n3A_230 masked %reduce_sum3A_232 : vector<16xi32>, vector<16xi1> -> vector<16xi32>
      %reduce_sum3A_234 = vector.extract %reduce_sum3A_233[15] : i32 from vector<16xi32>
      %eq3A_235 = arith.constant 3 : i32
      %eq3A_236 = vector.broadcast %eq3A_235 : i32 to vector<16xi32>
      %eq3A_237 = arith.cmpi eq, %iota3A, %eq3A_236 : vector<16xi32>
      %broadcast_in_dim3A_238 = vector.broadcast %reduce_sum3A_234 : i32 to vector<16xi32>
      %select_n3A_239 = arith.select %eq3A_237, %broadcast_in_dim3A_238, %select_n3A_184 : vector<16xi1>, vector<16xi32>
      %add3A_240 = arith.constant 1 : i32
      %add3A_241 = vector.broadcast %add3A_240 : i32 to vector<16xi32>
      %add3A_242 = arith.addi %iota3A, %add3A_241 : vector<16xi32>
      %min3A_243 = arith.constant 15 : i32
      %min3A_244 = vector.broadcast %min3A_243 : i32 to vector<16xi32>
      %min3A_245 = arith.minsi %add3A_242, %min3A_244 : vector<16xi32>
      %gather3A_246 = tpu.vector_load_idx %arg17[%min3A_245] : memref<16xi32, #tpu.memory_space<vmem>>[vector<16xi32>], vector<16xi32>,
      %ge3A_247 = vector.broadcast %select_n3A_220 : i32 to vector<16xi32>
      %ge3A_248 = arith.cmpi sge, %iota3A, %ge3A_247 : vector<16xi32>
      %select_n3A_249 = arith.select %ge3A_248, %gather3A_246, %get3A_225 : vector<16xi1>, vector<16xi32>
      %swap3A_250 = arith.constant 0 : index
      %swap3A_251 = tpu.vector_load %arg17[%swap3A_250] {strides = array<i32>} : memref<16xi32, #tpu.memory_space<vmem>>, vector<16xi32>,
      tpu.vector_store %arg17[%swap3A_250], %select_n3A_249 {strides = array<i32>} : memref<16xi32, #tpu.memory_space<vmem>>, vector<16xi32>,
      %jit3A_252 = arith.constant 24 : i32
      %div3A_253 = arith.divsi %sub3A_223, %jit3A_252 : i32
      %sign3A_254 = arith.constant 0 : i32
      %sign3A_255 = arith.cmpi sgt, %sub3A_223, %sign3A_254 : i32
      %sign3A_256 = arith.extui %sign3A_255 : i1 to i32
      %sign3A_257 = arith.constant 0 : i32
      %sign3A_258 = arith.cmpi slt, %sub3A_223, %sign3A_257 : i32
      %sign3A_259 = arith.extui %sign3A_258 : i1 to i32
      %sign3A_260 = arith.subi %sign3A_256, %sign3A_259 : i32
      %sign3A_261 = arith.constant 0 : i32
      %sign3A_262 = arith.cmpi sgt, %jit3A_252, %sign3A_261 : i32
      %sign3A_263 = arith.extui %sign3A_262 : i1 to i32
      %sign3A_264 = arith.constant 0 : i32
      %sign3A_265 = arith.cmpi slt, %jit3A_252, %sign3A_264 : i32
      %sign3A_266 = arith.extui %sign3A_265 : i1 to i32
      %sign3A_267 = arith.subi %sign3A_263, %sign3A_266 : i32
      %ne3A_268 = arith.cmpi ne, %sign3A_260, %sign3A_267 : i32
      %rem3A_269 = arith.remsi %sub3A_223, %jit3A_252 : i32
      %ne3A_270 = arith.constant 0 : i32
      %ne3A_271 = arith.cmpi ne, %rem3A_269, %ne3A_270 : i32
      %and3A_272 = arith.andi %ne3A_268, %ne3A_271 : i1
      %sub3A_273 = arith.constant 1 : i32
      %sub3A_274 = arith.subi %div3A_253, %sub3A_273 : i32
      %select_n3A_275 = arith.select %and3A_272, %sub3A_274, %div3A_253 : i32
      %mul3A_276 = arith.constant 24 : i32
      %mul3A_277 = arith.muli %select_n3A_275, %mul3A_276 : i32
      %sub3A_278 = arith.subi %sub3A_223, %mul3A_277 : i32
      %get3A_279 = arith.constant 0 : index
      %get3A_280 = tpu.vector_load %arg17[%get3A_279] {strides = array<i32>} : memref<16xi32, #tpu.memory_space<vmem>>, vector<16xi32>,
      %eq3A_281 = vector.broadcast %select_n3A_275 : i32 to vector<16xi32>
      %eq3A_282 = arith.cmpi eq, %iota3A, %eq3A_281 : vector<16xi32>
      %jit3A_283 = arith.constant 0 : i32
      %broadcast_in_dim3A_284 = vector.broadcast %jit3A_283 : i32 to vector<16xi32>
      %select_n3A_285 = arith.select %eq3A_282, %get3A_280, %broadcast_in_dim3A_284 : vector<16xi1>, vector<16xi32>
      %reduce_sum3A_286 = arith.constant true
      %reduce_sum3A_287 = vector.broadcast %reduce_sum3A_286 : i1 to vector<16xi1>
      %reduce_sum3A_288 = tpu.scan <sum>, %select_n3A_285 masked %reduce_sum3A_287 : vector<16xi32>, vector<16xi1> -> vector<16xi32>
      %reduce_sum3A_289 = vector.extract %reduce_sum3A_288[15] : i32 from vector<16xi32>
      %eq3A_290 = arith.constant 4 : i32
      %eq3A_291 = vector.broadcast %eq3A_290 : i32 to vector<16xi32>
      %eq3A_292 = arith.cmpi eq, %iota3A, %eq3A_291 : vector<16xi32>
      %broadcast_in_dim3A_293 = vector.broadcast %reduce_sum3A_289 : i32 to vector<16xi32>
      %select_n3A_294 = arith.select %eq3A_292, %broadcast_in_dim3A_293, %select_n3A_239 : vector<16xi1>, vector<16xi32>
      %add3A_295 = arith.constant 1 : i32
      %add3A_296 = vector.broadcast %add3A_295 : i32 to vector<16xi32>
      %add3A_297 = arith.addi %iota3A, %add3A_296 : vector<16xi32>
      %min3A_298 = arith.constant 15 : i32
      %min3A_299 = vector.broadcast %min3A_298 : i32 to vector<16xi32>
      %min3A_300 = arith.minsi %add3A_297, %min3A_299 : vector<16xi32>
      %gather3A_301 = tpu.vector_load_idx %arg17[%min3A_300] : memref<16xi32, #tpu.memory_space<vmem>>[vector<16xi32>], vector<16xi32>,
      %ge3A_302 = vector.broadcast %select_n3A_275 : i32 to vector<16xi32>
      %ge3A_303 = arith.cmpi sge, %iota3A, %ge3A_302 : vector<16xi32>
      %select_n3A_304 = arith.select %ge3A_303, %gather3A_301, %get3A_280 : vector<16xi1>, vector<16xi32>
      %swap3A_305 = arith.constant 0 : index
      %swap3A_306 = tpu.vector_load %arg17[%swap3A_305] {strides = array<i32>} : memref<16xi32, #tpu.memory_space<vmem>>, vector<16xi32>,
      tpu.vector_store %arg17[%swap3A_305], %select_n3A_304 {strides = array<i32>} : memref<16xi32, #tpu.memory_space<vmem>>, vector<16xi32>,
      %jit3A_307 = arith.constant 6 : i32
      %div3A_308 = arith.divsi %sub3A_278, %jit3A_307 : i32
      %sign3A_309 = arith.constant 0 : i32
      %sign3A_310 = arith.cmpi sgt, %sub3A_278, %sign3A_309 : i32
      %sign3A_311 = arith.extui %sign3A_310 : i1 to i32
      %sign3A_312 = arith.constant 0 : i32
      %sign3A_313 = arith.cmpi slt, %sub3A_278, %sign3A_312 : i32
      %sign3A_314 = arith.extui %sign3A_313 : i1 to i32
      %sign3A_315 = arith.subi %sign3A_311, %sign3A_314 : i32
      %sign3A_316 = arith.constant 0 : i32
      %sign3A_317 = arith.cmpi sgt, %jit3A_307, %sign3A_316 : i32
      %sign3A_318 = arith.extui %sign3A_317 : i1 to i32
      %sign3A_319 = arith.constant 0 : i32
      %sign3A_320 = arith.cmpi slt, %jit3A_307, %sign3A_319 : i32
      %sign3A_321 = arith.extui %sign3A_320 : i1 to i32
      %sign3A_322 = arith.subi %sign3A_318, %sign3A_321 : i32
      %ne3A_323 = arith.cmpi ne, %sign3A_315, %sign3A_322 : i32
      %rem3A_324 = arith.remsi %sub3A_278, %jit3A_307 : i32
      %ne3A_325 = arith.constant 0 : i32
      %ne3A_326 = arith.cmpi ne, %rem3A_324, %ne3A_325 : i32
      %and3A_327 = arith.andi %ne3A_323, %ne3A_326 : i1
      %sub3A_328 = arith.constant 1 : i32
      %sub3A_329 = arith.subi %div3A_308, %sub3A_328 : i32
      %select_n3A_330 = arith.select %and3A_327, %sub3A_329, %div3A_308 : i32
      %mul3A_331 = arith.constant 6 : i32
      %mul3A_332 = arith.muli %select_n3A_330, %mul3A_331 : i32
      %sub3A_333 = arith.subi %sub3A_278, %mul3A_332 : i32
      %get3A_334 = arith.constant 0 : index
      %get3A_335 = tpu.vector_load %arg17[%get3A_334] {strides = array<i32>} : memref<16xi32, #tpu.memory_space<vmem>>, vector<16xi32>,
      %eq3A_336 = vector.broadcast %select_n3A_330 : i32 to vector<16xi32>
      %eq3A_337 = arith.cmpi eq, %iota3A, %eq3A_336 : vector<16xi32>
      %jit3A_338 = arith.constant 0 : i32
      %broadcast_in_dim3A_339 = vector.broadcast %jit3A_338 : i32 to vector<16xi32>
      %select_n3A_340 = arith.select %eq3A_337, %get3A_335, %broadcast_in_dim3A_339 : vector<16xi1>, vector<16xi32>
      %reduce_sum3A_341 = arith.constant true
      %reduce_sum3A_342 = vector.broadcast %reduce_sum3A_341 : i1 to vector<16xi1>
      %reduce_sum3A_343 = tpu.scan <sum>, %select_n3A_340 masked %reduce_sum3A_342 : vector<16xi32>, vector<16xi1> -> vector<16xi32>
      %reduce_sum3A_344 = vector.extract %reduce_sum3A_343[15] : i32 from vector<16xi32>
      %eq3A_345 = arith.constant 5 : i32
      %eq3A_346 = vector.broadcast %eq3A_345 : i32 to vector<16xi32>
      %eq3A_347 = arith.cmpi eq, %iota3A, %eq3A_346 : vector<16xi32>
      %broadcast_in_dim3A_348 = vector.broadcast %reduce_sum3A_344 : i32 to vector<16xi32>
      %select_n3A_349 = arith.select %eq3A_347, %broadcast_in_dim3A_348, %select_n3A_294 : vector<16xi1>, vector<16xi32>
      %add3A_350 = arith.constant 1 : i32
      %add3A_351 = vector.broadcast %add3A_350 : i32 to vector<16xi32>
      %add3A_352 = arith.addi %iota3A, %add3A_351 : vector<16xi32>
      %min3A_353 = arith.constant 15 : i32
      %min3A_354 = vector.broadcast %min3A_353 : i32 to vector<16xi32>
      %min3A_355 = arith.minsi %add3A_352, %min3A_354 : vector<16xi32>
      %gather3A_356 = tpu.vector_load_idx %arg17[%min3A_355] : memref<16xi32, #tpu.memory_space<vmem>>[vector<16xi32>], vector<16xi32>,
      %ge3A_357 = vector.broadcast %select_n3A_330 : i32 to vector<16xi32>
      %ge3A_358 = arith.cmpi sge, %iota3A, %ge3A_357 : vector<16xi32>
      %select_n3A_359 = arith.select %ge3A_358, %gather3A_356, %get3A_335 : vector<16xi1>, vector<16xi32>
      %swap3A_360 = arith.constant 0 : index
      %swap3A_361 = tpu.vector_load %arg17[%swap3A_360] {strides = array<i32>} : memref<16xi32, #tpu.memory_space<vmem>>, vector<16xi32>,
      tpu.vector_store %arg17[%swap3A_360], %select_n3A_359 {strides = array<i32>} : memref<16xi32, #tpu.memory_space<vmem>>, vector<16xi32>,
      %jit3A_362 = arith.constant 2 : i32
      %div3A_363 = arith.divsi %sub3A_333, %jit3A_362 : i32
      %sign3A_364 = arith.constant 0 : i32
      %sign3A_365 = arith.cmpi sgt, %sub3A_333, %sign3A_364 : i32
      %sign3A_366 = arith.extui %sign3A_365 : i1 to i32
      %sign3A_367 = arith.constant 0 : i32
      %sign3A_368 = arith.cmpi slt, %sub3A_333, %sign3A_367 : i32
      %sign3A_369 = arith.extui %sign3A_368 : i1 to i32
      %sign3A_370 = arith.subi %sign3A_366, %sign3A_369 : i32
      %sign3A_371 = arith.constant 0 : i32
      %sign3A_372 = arith.cmpi sgt, %jit3A_362, %sign3A_371 : i32
      %sign3A_373 = arith.extui %sign3A_372 : i1 to i32
      %sign3A_374 = arith.constant 0 : i32
      %sign3A_375 = arith.cmpi slt, %jit3A_362, %sign3A_374 : i32
      %sign3A_376 = arith.extui %sign3A_375 : i1 to i32
      %sign3A_377 = arith.subi %sign3A_373, %sign3A_376 : i32
      %ne3A_378 = arith.cmpi ne, %sign3A_370, %sign3A_377 : i32
      %rem3A_379 = arith.remsi %sub3A_333, %jit3A_362 : i32
      %ne3A_380 = arith.constant 0 : i32
      %ne3A_381 = arith.cmpi ne, %rem3A_379, %ne3A_380 : i32
      %and3A_382 = arith.andi %ne3A_378, %ne3A_381 : i1
      %sub3A_383 = arith.constant 1 : i32
      %sub3A_384 = arith.subi %div3A_363, %sub3A_383 : i32
      %select_n3A_385 = arith.select %and3A_382, %sub3A_384, %div3A_363 : i32
      %mul3A_386 = arith.constant 2 : i32
      %mul3A_387 = arith.muli %select_n3A_385, %mul3A_386 : i32
      %sub3A_388 = arith.subi %sub3A_333, %mul3A_387 : i32
      %get3A_389 = arith.constant 0 : index
      %get3A_390 = tpu.vector_load %arg17[%get3A_389] {strides = array<i32>} : memref<16xi32, #tpu.memory_space<vmem>>, vector<16xi32>,
      %eq3A_391 = vector.broadcast %select_n3A_385 : i32 to vector<16xi32>
      %eq3A_392 = arith.cmpi eq, %iota3A, %eq3A_391 : vector<16xi32>
      %jit3A_393 = arith.constant 0 : i32
      %broadcast_in_dim3A_394 = vector.broadcast %jit3A_393 : i32 to vector<16xi32>
      %select_n3A_395 = arith.select %eq3A_392, %get3A_390, %broadcast_in_dim3A_394 : vector<16xi1>, vector<16xi32>
      %reduce_sum3A_396 = arith.constant true
      %reduce_sum3A_397 = vector.broadcast %reduce_sum3A_396 : i1 to vector<16xi1>
      %reduce_sum3A_398 = tpu.scan <sum>, %select_n3A_395 masked %reduce_sum3A_397 : vector<16xi32>, vector<16xi1> -> vector<16xi32>
      %reduce_sum3A_399 = vector.extract %reduce_sum3A_398[15] : i32 from vector<16xi32>
      %eq3A_400 = arith.constant 6 : i32
      %eq3A_401 = vector.broadcast %eq3A_400 : i32 to vector<16xi32>
      %eq3A_402 = arith.cmpi eq, %iota3A, %eq3A_401 : vector<16xi32>
      %broadcast_in_dim3A_403 = vector.broadcast %reduce_sum3A_399 : i32 to vector<16xi32>
      %select_n3A_404 = arith.select %eq3A_402, %broadcast_in_dim3A_403, %select_n3A_349 : vector<16xi1>, vector<16xi32>
      %add3A_405 = arith.constant 1 : i32
      %add3A_406 = vector.broadcast %add3A_405 : i32 to vector<16xi32>
      %add3A_407 = arith.addi %iota3A, %add3A_406 : vector<16xi32>
      %min3A_408 = arith.constant 15 : i32
      %min3A_409 = vector.broadcast %min3A_408 : i32 to vector<16xi32>
      %min3A_410 = arith.minsi %add3A_407, %min3A_409 : vector<16xi32>
      %gather3A_411 = tpu.vector_load_idx %arg17[%min3A_410] : memref<16xi32, #tpu.memory_space<vmem>>[vector<16xi32>], vector<16xi32>,
      %ge3A_412 = vector.broadcast %select_n3A_385 : i32 to vector<16xi32>
      %ge3A_413 = arith.cmpi sge, %iota3A, %ge3A_412 : vector<16xi32>
      %select_n3A_414 = arith.select %ge3A_413, %gather3A_411, %get3A_390 : vector<16xi1>, vector<16xi32>
      %swap3A_415 = arith.constant 0 : index
      %swap3A_416 = tpu.vector_load %arg17[%swap3A_415] {strides = array<i32>} : memref<16xi32, #tpu.memory_space<vmem>>, vector<16xi32>,
      tpu.vector_store %arg17[%swap3A_415], %select_n3A_414 {strides = array<i32>} : memref<16xi32, #tpu.memory_space<vmem>>, vector<16xi32>,
      %jit3A_417 = arith.constant 1 : i32
      %div3A_418 = arith.divsi %sub3A_388, %jit3A_417 : i32
      %sign3A_419 = arith.constant 0 : i32
      %sign3A_420 = arith.cmpi sgt, %sub3A_388, %sign3A_419 : i32
      %sign3A_421 = arith.extui %sign3A_420 : i1 to i32
      %sign3A_422 = arith.constant 0 : i32
      %sign3A_423 = arith.cmpi slt, %sub3A_388, %sign3A_422 : i32
      %sign3A_424 = arith.extui %sign3A_423 : i1 to i32
      %sign3A_425 = arith.subi %sign3A_421, %sign3A_424 : i32
      %sign3A_426 = arith.constant 0 : i32
      %sign3A_427 = arith.cmpi sgt, %jit3A_417, %sign3A_426 : i32
      %sign3A_428 = arith.extui %sign3A_427 : i1 to i32
      %sign3A_429 = arith.constant 0 : i32
      %sign3A_430 = arith.cmpi slt, %jit3A_417, %sign3A_429 : i32
      %sign3A_431 = arith.extui %sign3A_430 : i1 to i32
      %sign3A_432 = arith.subi %sign3A_428, %sign3A_431 : i32
      %ne3A_433 = arith.cmpi ne, %sign3A_425, %sign3A_432 : i32
      %rem3A_434 = arith.remsi %sub3A_388, %jit3A_417 : i32
      %ne3A_435 = arith.constant 0 : i32
      %ne3A_436 = arith.cmpi ne, %rem3A_434, %ne3A_435 : i32
      %and3A_437 = arith.andi %ne3A_433, %ne3A_436 : i1
      %sub3A_438 = arith.constant 1 : i32
      %sub3A_439 = arith.subi %div3A_418, %sub3A_438 : i32
      %select_n3A_440 = arith.select %and3A_437, %sub3A_439, %div3A_418 : i32
      %mul3A_441 = arith.constant 1 : i32
      %mul3A_442 = arith.muli %select_n3A_440, %mul3A_441 : i32
      %sub3A_443 = arith.subi %sub3A_388, %mul3A_442 : i32
      %get3A_444 = arith.constant 0 : index
      %get3A_445 = tpu.vector_load %arg17[%get3A_444] {strides = array<i32>} : memref<16xi32, #tpu.memory_space<vmem>>, vector<16xi32>,
      %eq3A_446 = vector.broadcast %select_n3A_440 : i32 to vector<16xi32>
      %eq3A_447 = arith.cmpi eq, %iota3A, %eq3A_446 : vector<16xi32>
      %jit3A_448 = arith.constant 0 : i32
      %broadcast_in_dim3A_449 = vector.broadcast %jit3A_448 : i32 to vector<16xi32>
      %select_n3A_450 = arith.select %eq3A_447, %get3A_445, %broadcast_in_dim3A_449 : vector<16xi1>, vector<16xi32>
      %reduce_sum3A_451 = arith.constant true
      %reduce_sum3A_452 = vector.broadcast %reduce_sum3A_451 : i1 to vector<16xi1>
      %reduce_sum3A_453 = tpu.scan <sum>, %select_n3A_450 masked %reduce_sum3A_452 : vector<16xi32>, vector<16xi1> -> vector<16xi32>
      %reduce_sum3A_454 = vector.extract %reduce_sum3A_453[15] : i32 from vector<16xi32>
      %eq3A_455 = arith.constant 7 : i32
      %eq3A_456 = vector.broadcast %eq3A_455 : i32 to vector<16xi32>
      %eq3A_457 = arith.cmpi eq, %iota3A, %eq3A_456 : vector<16xi32>
      %broadcast_in_dim3A_458 = vector.broadcast %reduce_sum3A_454 : i32 to vector<16xi32>
      %select_n3A_459 = arith.select %eq3A_457, %broadcast_in_dim3A_458, %select_n3A_404 : vector<16xi1>, vector<16xi32>
      %add3A_460 = arith.constant 1 : i32
      %add3A_461 = vector.broadcast %add3A_460 : i32 to vector<16xi32>
      %add3A_462 = arith.addi %iota3A, %add3A_461 : vector<16xi32>
      %min3A_463 = arith.constant 15 : i32
      %min3A_464 = vector.broadcast %min3A_463 : i32 to vector<16xi32>
      %min3A_465 = arith.minsi %add3A_462, %min3A_464 : vector<16xi32>
      %gather3A_466 = tpu.vector_load_idx %arg17[%min3A_465] : memref<16xi32, #tpu.memory_space<vmem>>[vector<16xi32>], vector<16xi32>,
      %ge3A_467 = vector.broadcast %select_n3A_440 : i32 to vector<16xi32>
      %ge3A_468 = arith.cmpi sge, %iota3A, %ge3A_467 : vector<16xi32>
      %select_n3A_469 = arith.select %ge3A_468, %gather3A_466, %get3A_445 : vector<16xi1>, vector<16xi32>
      %swap3A_470 = arith.constant 0 : index
      %swap3A_471 = tpu.vector_load %arg17[%swap3A_470] {strides = array<i32>} : memref<16xi32, #tpu.memory_space<vmem>>, vector<16xi32>,
      tpu.vector_store %arg17[%swap3A_470], %select_n3A_469 {strides = array<i32>} : memref<16xi32, #tpu.memory_space<vmem>>, vector<16xi32>,
      %jit3A_472 = arith.constant 1 : i32
      %div3A_473 = arith.divsi %sub3A_443, %jit3A_472 : i32
      %sign3A_474 = arith.constant 0 : i32
      %sign3A_475 = arith.cmpi sgt, %sub3A_443, %sign3A_474 : i32
      %sign3A_476 = arith.extui %sign3A_475 : i1 to i32
      %sign3A_477 = arith.constant 0 : i32
      %sign3A_478 = arith.cmpi slt, %sub3A_443, %sign3A_477 : i32
      %sign3A_479 = arith.extui %sign3A_478 : i1 to i32
      %sign3A_480 = arith.subi %sign3A_476, %sign3A_479 : i32
      %sign3A_481 = arith.constant 0 : i32
      %sign3A_482 = arith.cmpi sgt, %jit3A_472, %sign3A_481 : i32
      %sign3A_483 = arith.extui %sign3A_482 : i1 to i32
      %sign3A_484 = arith.constant 0 : i32
      %sign3A_485 = arith.cmpi slt, %jit3A_472, %sign3A_484 : i32
      %sign3A_486 = arith.extui %sign3A_485 : i1 to i32
      %sign3A_487 = arith.subi %sign3A_483, %sign3A_486 : i32
      %ne3A_488 = arith.cmpi ne, %sign3A_480, %sign3A_487 : i32
      %rem3A_489 = arith.remsi %sub3A_443, %jit3A_472 : i32
      %ne3A_490 = arith.constant 0 : i32
      %ne3A_491 = arith.cmpi ne, %rem3A_489, %ne3A_490 : i32
      %and3A_492 = arith.andi %ne3A_488, %ne3A_491 : i1
      %sub3A_493 = arith.constant 1 : i32
      %sub3A_494 = arith.subi %div3A_473, %sub3A_493 : i32
      %select_n3A_495 = arith.select %and3A_492, %sub3A_494, %div3A_473 : i32
      %mul3A_496 = arith.constant 1 : i32
      %mul3A_497 = arith.muli %select_n3A_495, %mul3A_496 : i32
      %sub3A_498 = arith.subi %sub3A_443, %mul3A_497 : i32
      %get3A_499 = arith.constant 0 : index
      %get3A_500 = tpu.vector_load %arg17[%get3A_499] {strides = array<i32>} : memref<16xi32, #tpu.memory_space<vmem>>, vector<16xi32>,
      %eq3A_501 = vector.broadcast %select_n3A_495 : i32 to vector<16xi32>
      %eq3A_502 = arith.cmpi eq, %iota3A, %eq3A_501 : vector<16xi32>
      %jit3A_503 = arith.constant 0 : i32
      %broadcast_in_dim3A_504 = vector.broadcast %jit3A_503 : i32 to vector<16xi32>
      %select_n3A_505 = arith.select %eq3A_502, %get3A_500, %broadcast_in_dim3A_504 : vector<16xi1>, vector<16xi32>
      %reduce_sum3A_506 = arith.constant true
      %reduce_sum3A_507 = vector.broadcast %reduce_sum3A_506 : i1 to vector<16xi1>
      %reduce_sum3A_508 = tpu.scan <sum>, %select_n3A_505 masked %reduce_sum3A_507 : vector<16xi32>, vector<16xi1> -> vector<16xi32>
      %reduce_sum3A_509 = vector.extract %reduce_sum3A_508[15] : i32 from vector<16xi32>
      %eq3A_510 = arith.constant 8 : i32
      %eq3A_511 = vector.broadcast %eq3A_510 : i32 to vector<16xi32>
      %eq3A_512 = arith.cmpi eq, %iota3A, %eq3A_511 : vector<16xi32>
      %broadcast_in_dim3A_513 = vector.broadcast %reduce_sum3A_509 : i32 to vector<16xi32>
      %select_n3A_514 = arith.select %eq3A_512, %broadcast_in_dim3A_513, %select_n3A_459 : vector<16xi1>, vector<16xi32>
      %add3A_515 = arith.constant 1 : i32
      %add3A_516 = vector.broadcast %add3A_515 : i32 to vector<16xi32>
      %add3A_517 = arith.addi %iota3A, %add3A_516 : vector<16xi32>
      %min3A_518 = arith.constant 15 : i32
      %min3A_519 = vector.broadcast %min3A_518 : i32 to vector<16xi32>
      %min3A_520 = arith.minsi %add3A_517, %min3A_519 : vector<16xi32>
      %gather3A_521 = tpu.vector_load_idx %arg17[%min3A_520] : memref<16xi32, #tpu.memory_space<vmem>>[vector<16xi32>], vector<16xi32>,
      %ge3A_522 = vector.broadcast %select_n3A_495 : i32 to vector<16xi32>
      %ge3A_523 = arith.cmpi sge, %iota3A, %ge3A_522 : vector<16xi32>
      %select_n3A_524 = arith.select %ge3A_523, %gather3A_521, %get3A_500 : vector<16xi1>, vector<16xi32>
      %swap3A_525 = arith.constant 0 : index
      %swap3A_526 = tpu.vector_load %arg17[%swap3A_525] {strides = array<i32>} : memref<16xi32, #tpu.memory_space<vmem>>, vector<16xi32>,
      tpu.vector_store %arg17[%swap3A_525], %select_n3A_524 {strides = array<i32>} : memref<16xi32, #tpu.memory_space<vmem>>, vector<16xi32>,
      %broadcast_in_dim3A_527 = arith.constant 0 : i32
      %broadcast_in_dim3A_528 = vector.broadcast %broadcast_in_dim3A_527 : i32 to vector<16xi32>
      %swap3A_529 = arith.constant 0 : index
      %swap3A_530 = tpu.vector_load %arg18[%swap3A_529] {strides = array<i32>} : memref<16xi32, #tpu.memory_space<vmem>>, vector<16xi32>,
      tpu.vector_store %arg18[%swap3A_529], %broadcast_in_dim3A_528 {strides = array<i32>} : memref<16xi32, #tpu.memory_space<vmem>>, vector<16xi32>,
      %lt3A = arith.constant 9 : i32
      %lt3A_531 = vector.broadcast %lt3A : i32 to vector<16xi32>
      %lt3A_532 = arith.cmpi slt, %iota3A, %lt3A_531 : vector<16xi32>
      tpu.vector_store_idx %arg18[%select_n3A_514], %iota3A masked %lt3A_532 : memref<16xi32, #tpu.memory_space<vmem>>[vector<16xi32>], vector<16xi32>, vector<16xi1>
      "tpu.region"() ({
        %run_scoped3A = tpu.sem_alloc : memref<!tpu.dma_semaphore, #tpu.memory_space<semaphore_mem>>
        tpu.enqueue_dma source(%arg4 : memref<96xf32, #tpu.memory_space<hbm>>) target(%arg19 : memref<96xf32, #tpu.memory_space<vmem>>) target_semaphore(%run_scoped3A : memref<!tpu.dma_semaphore, #tpu.memory_space<semaphore_mem>>)
        tpu.wait_dma2 semaphore(%run_scoped3A : memref<!tpu.dma_semaphore, #tpu.memory_space<semaphore_mem>>) src(%arg4 : memref<96xf32, #tpu.memory_space<hbm>>) dst(%arg19 : memref<96xf32, #tpu.memory_space<vmem>>)
        tpu.yield
      }) : () -> ()
      "tpu.region"() ({
        %run_scoped3A = tpu.sem_alloc : memref<!tpu.dma_semaphore, #tpu.memory_space<semaphore_mem>>
        tpu.enqueue_dma source(%arg5 : memref<48xf32, #tpu.memory_space<hbm>>) target(%arg20 : memref<48xf32, #tpu.memory_space<vmem>>) target_semaphore(%run_scoped3A : memref<!tpu.dma_semaphore, #tpu.memory_space<semaphore_mem>>)
        tpu.wait_dma2 semaphore(%run_scoped3A : memref<!tpu.dma_semaphore, #tpu.memory_space<semaphore_mem>>) src(%arg5 : memref<48xf32, #tpu.memory_space<hbm>>) dst(%arg20 : memref<48xf32, #tpu.memory_space<vmem>>)
        tpu.yield
      }) : () -> ()
      "tpu.region"() ({
        %run_scoped3A = tpu.sem_alloc : memref<!tpu.dma_semaphore, #tpu.memory_space<semaphore_mem>>
        tpu.enqueue_dma source(%arg6 : memref<48xf32, #tpu.memory_space<hbm>>) target(%arg21 : memref<48xf32, #tpu.memory_space<vmem>>) target_semaphore(%run_scoped3A : memref<!tpu.dma_semaphore, #tpu.memory_space<semaphore_mem>>)
        tpu.wait_dma2 semaphore(%run_scoped3A : memref<!tpu.dma_semaphore, #tpu.memory_space<semaphore_mem>>) src(%arg6 : memref<48xf32, #tpu.memory_space<hbm>>) dst(%arg21 : memref<48xf32, #tpu.memory_space<vmem>>)
        tpu.yield
      }) : () -> ()
      "tpu.region"() ({
        %run_scoped3A = tpu.sem_alloc : memref<!tpu.dma_semaphore, #tpu.memory_space<semaphore_mem>>
        tpu.enqueue_dma source(%arg7 : memref<16xf32, #tpu.memory_space<hbm>>) target(%arg22 : memref<16xf32, #tpu.memory_space<vmem>>) target_semaphore(%run_scoped3A : memref<!tpu.dma_semaphore, #tpu.memory_space<semaphore_mem>>)
        tpu.wait_dma2 semaphore(%run_scoped3A : memref<!tpu.dma_semaphore, #tpu.memory_space<semaphore_mem>>) src(%arg7 : memref<16xf32, #tpu.memory_space<hbm>>) dst(%arg22 : memref<16xf32, #tpu.memory_space<vmem>>)
        tpu.yield
      }) : () -> ()
      "tpu.region"() ({
        %run_scoped3A = tpu.sem_alloc : memref<!tpu.dma_semaphore, #tpu.memory_space<semaphore_mem>>
        tpu.enqueue_dma source(%arg8 : memref<48xi32, #tpu.memory_space<hbm>>) target(%arg23 : memref<48xi32, #tpu.memory_space<vmem>>) target_semaphore(%run_scoped3A : memref<!tpu.dma_semaphore, #tpu.memory_space<semaphore_mem>>)
        tpu.wait_dma2 semaphore(%run_scoped3A : memref<!tpu.dma_semaphore, #tpu.memory_space<semaphore_mem>>) src(%arg8 : memref<48xi32, #tpu.memory_space<hbm>>) dst(%arg23 : memref<48xi32, #tpu.memory_space<vmem>>)
        tpu.yield
      }) : () -> ()
      "tpu.region"() ({
        %run_scoped3A = tpu.sem_alloc : memref<!tpu.dma_semaphore, #tpu.memory_space<semaphore_mem>>
        tpu.enqueue_dma source(%arg9 : memref<48xi32, #tpu.memory_space<hbm>>) target(%arg24 : memref<48xi32, #tpu.memory_space<vmem>>) target_semaphore(%run_scoped3A : memref<!tpu.dma_semaphore, #tpu.memory_space<semaphore_mem>>)
        tpu.wait_dma2 semaphore(%run_scoped3A : memref<!tpu.dma_semaphore, #tpu.memory_space<semaphore_mem>>) src(%arg9 : memref<48xi32, #tpu.memory_space<hbm>>) dst(%arg24 : memref<48xi32, #tpu.memory_space<vmem>>)
        tpu.yield
      }) : () -> ()
      %broadcast_in_dim3A_533 = arith.constant 0.000000e+00 : f32
      %broadcast_in_dim3A_534 = vector.broadcast %broadcast_in_dim3A_533 : f32 to vector<16xf32>
      %get3A_535 = arith.constant 0 : index
      %get3A_536 = tpu.vector_load %arg23[%get3A_535] {strides = array<i32>} : memref<48xi32, #tpu.memory_space<vmem>>, vector<16xi32>,
      %get3A_537 = arith.constant 0 : index
      %get3A_538 = tpu.vector_load %arg24[%get3A_537] {strides = array<i32>} : memref<48xi32, #tpu.memory_space<vmem>>, vector<16xi32>,
      %gather3A_539 = tpu.vector_load_idx %arg18[%get3A_536] : memref<16xi32, #tpu.memory_space<vmem>>[vector<16xi32>], vector<16xi32>,
      %gather3A_540 = tpu.vector_load_idx %arg18[%get3A_538] : memref<16xi32, #tpu.memory_space<vmem>>[vector<16xi32>], vector<16xi32>,
      %mul3A_541 = arith.constant 9 : i32
      %mul3A_542 = vector.broadcast %mul3A_541 : i32 to vector<16xi32>
      %mul3A_543 = arith.muli %gather3A_539, %mul3A_542 : vector<16xi32>
      %add3A_544 = arith.addi %mul3A_543, %gather3A_540 : vector<16xi32>
      %gather3A_545 = tpu.vector_load_idx %arg19[%add3A_544] : memref<96xf32, #tpu.memory_space<vmem>>[vector<16xi32>], vector<16xf32>,
      %get3A_546 = arith.constant 0 : index
      %get3A_547 = tpu.vector_load %arg20[%get3A_546] {strides = array<i32>} : memref<48xf32, #tpu.memory_space<vmem>>, vector<16xf32>,
      %get3A_548 = arith.constant 0 : index
      %get3A_549 = tpu.vector_load %arg21[%get3A_548] {strides = array<i32>} : memref<48xf32, #tpu.memory_space<vmem>>, vector<16xf32>,
      %add3A_550 = arith.constant 0 : i32
      %add3A_551 = vector.broadcast %add3A_550 : i32 to vector<16xi32>
      %add3A_552 = arith.addi %iota3A, %add3A_551 : vector<16xi32>
      %lt3A_553 = arith.constant 45 : i32
      %lt3A_554 = vector.broadcast %lt3A_553 : i32 to vector<16xi32>
      %lt3A_555 = arith.cmpi slt, %add3A_552, %lt3A_554 : vector<16xi32>
      %mul3A_556 = arith.mulf %gather3A_545, %get3A_547 : vector<16xf32>
      %sub3A_557 = arith.constant 1.000000e+00 : f32
      %sub3A_558 = vector.broadcast %sub3A_557 : f32 to vector<16xf32>
      %sub3A_559 = arith.subf %sub3A_558, %gather3A_545 : vector<16xf32>
      %mul3A_560 = arith.mulf %sub3A_559, %get3A_549 : vector<16xf32>
      %add3A_561 = arith.addf %mul3A_556, %mul3A_560 : vector<16xf32>
      %jit3A_562 = arith.constant 0.000000e+00 : f32
      %broadcast_in_dim3A_563 = vector.broadcast %jit3A_562 : f32 to vector<16xf32>
      %select_n3A_564 = arith.select %lt3A_555, %add3A_561, %broadcast_in_dim3A_563 : vector<16xi1>, vector<16xf32>
      %add3A_565 = arith.addf %broadcast_in_dim3A_534, %select_n3A_564 : vector<16xf32>
      %get3A_566 = arith.constant 16 : index
      %get3A_567 = tpu.vector_load %arg23[%get3A_566] {strides = array<i32>} : memref<48xi32, #tpu.memory_space<vmem>>, vector<16xi32>,
      %get3A_568 = arith.constant 16 : index
      %get3A_569 = tpu.vector_load %arg24[%get3A_568] {strides = array<i32>} : memref<48xi32, #tpu.memory_space<vmem>>, vector<16xi32>,
      %gather3A_570 = tpu.vector_load_idx %arg18[%get3A_567] : memref<16xi32, #tpu.memory_space<vmem>>[vector<16xi32>], vector<16xi32>,
      %gather3A_571 = tpu.vector_load_idx %arg18[%get3A_569] : memref<16xi32, #tpu.memory_space<vmem>>[vector<16xi32>], vector<16xi32>,
      %mul3A_572 = arith.constant 9 : i32
      %mul3A_573 = vector.broadcast %mul3A_572 : i32 to vector<16xi32>
      %mul3A_574 = arith.muli %gather3A_570, %mul3A_573 : vector<16xi32>
      %add3A_575 = arith.addi %mul3A_574, %gather3A_571 : vector<16xi32>
      %gather3A_576 = tpu.vector_load_idx %arg19[%add3A_575] : memref<96xf32, #tpu.memory_space<vmem>>[vector<16xi32>], vector<16xf32>,
      %get3A_577 = arith.constant 16 : index
      %get3A_578 = tpu.vector_load %arg20[%get3A_577] {strides = array<i32>} : memref<48xf32, #tpu.memory_space<vmem>>, vector<16xf32>,
      %get3A_579 = arith.constant 16 : index
      %get3A_580 = tpu.vector_load %arg21[%get3A_579] {strides = array<i32>} : memref<48xf32, #tpu.memory_space<vmem>>, vector<16xf32>,
      %add3A_581 = arith.constant 16 : i32
      %add3A_582 = vector.broadcast %add3A_581 : i32 to vector<16xi32>
      %add3A_583 = arith.addi %iota3A, %add3A_582 : vector<16xi32>
      %lt3A_584 = arith.constant 45 : i32
      %lt3A_585 = vector.broadcast %lt3A_584 : i32 to vector<16xi32>
      %lt3A_586 = arith.cmpi slt, %add3A_583, %lt3A_585 : vector<16xi32>
      %mul3A_587 = arith.mulf %gather3A_576, %get3A_578 : vector<16xf32>
      %sub3A_588 = arith.constant 1.000000e+00 : f32
      %sub3A_589 = vector.broadcast %sub3A_588 : f32 to vector<16xf32>
      %sub3A_590 = arith.subf %sub3A_589, %gather3A_576 : vector<16xf32>
      %mul3A_591 = arith.mulf %sub3A_590, %get3A_580 : vector<16xf32>
      %add3A_592 = arith.addf %mul3A_587, %mul3A_591 : vector<16xf32>
      %jit3A_593 = arith.constant 0.000000e+00 : f32
      %broadcast_in_dim3A_594 = vector.broadcast %jit3A_593 : f32 to vector<16xf32>
      %select_n3A_595 = arith.select %lt3A_586, %add3A_592, %broadcast_in_dim3A_594 : vector<16xi1>, vector<16xf32>
      %add3A_596 = arith.addf %add3A_565, %select_n3A_595 : vector<16xf32>
      %get3A_597 = arith.constant 32 : index
      %get3A_598 = tpu.vector_load %arg23[%get3A_597] {strides = array<i32>} : memref<48xi32, #tpu.memory_space<vmem>>, vector<16xi32>,
      %get3A_599 = arith.constant 32 : index
      %get3A_600 = tpu.vector_load %arg24[%get3A_599] {strides = array<i32>} : memref<48xi32, #tpu.memory_space<vmem>>, vector<16xi32>,
      %gather3A_601 = tpu.vector_load_idx %arg18[%get3A_598] : memref<16xi32, #tpu.memory_space<vmem>>[vector<16xi32>], vector<16xi32>,
      %gather3A_602 = tpu.vector_load_idx %arg18[%get3A_600] : memref<16xi32, #tpu.memory_space<vmem>>[vector<16xi32>], vector<16xi32>,
      %mul3A_603 = arith.constant 9 : i32
      %mul3A_604 = vector.broadcast %mul3A_603 : i32 to vector<16xi32>
      %mul3A_605 = arith.muli %gather3A_601, %mul3A_604 : vector<16xi32>
      %add3A_606 = arith.addi %mul3A_605, %gather3A_602 : vector<16xi32>
      %gather3A_607 = tpu.vector_load_idx %arg19[%add3A_606] : memref<96xf32, #tpu.memory_space<vmem>>[vector<16xi32>], vector<16xf32>,
      %get3A_608 = arith.constant 32 : index
      %get3A_609 = tpu.vector_load %arg20[%get3A_608] {strides = array<i32>} : memref<48xf32, #tpu.memory_space<vmem>>, vector<16xf32>,
      %get3A_610 = arith.constant 32 : index
      %get3A_611 = tpu.vector_load %arg21[%get3A_610] {strides = array<i32>} : memref<48xf32, #tpu.memory_space<vmem>>, vector<16xf32>,
      %add3A_612 = arith.constant 32 : i32
      %add3A_613 = vector.broadcast %add3A_612 : i32 to vector<16xi32>
      %add3A_614 = arith.addi %iota3A, %add3A_613 : vector<16xi32>
      %lt3A_615 = arith.constant 45 : i32
      %lt3A_616 = vector.broadcast %lt3A_615 : i32 to vector<16xi32>
      %lt3A_617 = arith.cmpi slt, %add3A_614, %lt3A_616 : vector<16xi32>
      %mul3A_618 = arith.mulf %gather3A_607, %get3A_609 : vector<16xf32>
      %sub3A_619 = arith.constant 1.000000e+00 : f32
      %sub3A_620 = vector.broadcast %sub3A_619 : f32 to vector<16xf32>
      %sub3A_621 = arith.subf %sub3A_620, %gather3A_607 : vector<16xf32>
      %mul3A_622 = arith.mulf %sub3A_621, %get3A_611 : vector<16xf32>
      %add3A_623 = arith.addf %mul3A_618, %mul3A_622 : vector<16xf32>
      %jit3A_624 = arith.constant 0.000000e+00 : f32
      %broadcast_in_dim3A_625 = vector.broadcast %jit3A_624 : f32 to vector<16xf32>
      %select_n3A_626 = arith.select %lt3A_617, %add3A_623, %broadcast_in_dim3A_625 : vector<16xi1>, vector<16xf32>
      %add3A_627 = arith.addf %add3A_596, %select_n3A_626 : vector<16xf32>
      %reduce_sum3A_628 = arith.constant true
      %reduce_sum3A_629 = vector.broadcast %reduce_sum3A_628 : i1 to vector<16xi1>
      %reduce_sum3A_630 = tpu.scan <sum>, %add3A_627 masked %reduce_sum3A_629 : vector<16xf32>, vector<16xi1> -> vector<16xf32>
      %reduce_sum3A_631 = vector.extract %reduce_sum3A_630[15] : f32 from vector<16xf32>
      %mul3A_632 = arith.constant -0.0222222228 : f32
      %mul3A_633 = arith.mulf %reduce_sum3A_631, %mul3A_632 : f32
      %get3A_634 = arith.constant 0 : index
      %get3A_635 = tpu.vector_load %arg22[%get3A_634] {strides = array<i32>} : memref<16xf32, #tpu.memory_space<vmem>>, vector<16xf32>,
      %reduce_sum3A_636 = arith.constant true
      %reduce_sum3A_637 = vector.broadcast %reduce_sum3A_636 : i1 to vector<16xi1>
      %reduce_sum3A_638 = tpu.scan <sum>, %get3A_635 masked %reduce_sum3A_637 : vector<16xf32>, vector<16xi1> -> vector<16xf32>
      %reduce_sum3A_639 = vector.extract %reduce_sum3A_638[15] : f32 from vector<16xf32>
      %add3A_640 = arith.addf %mul3A_633, %reduce_sum3A_639 : f32
      %broadcast_in_dim3A_641 = vector.broadcast %add3A_640 : f32 to vector<16xf32>
      %swap3A_642 = arith.constant 0 : index
      %swap3A_643 = tpu.vector_load %arg25[%swap3A_642] {strides = array<i32>} : memref<16xf32, #tpu.memory_space<vmem>>, vector<16xf32>,
      tpu.vector_store %arg25[%swap3A_642], %broadcast_in_dim3A_641 {strides = array<i32>} : memref<16xf32, #tpu.memory_space<vmem>>, vector<16xf32>,
      "tpu.region"() ({
        %run_scoped3A = tpu.sem_alloc : memref<!tpu.dma_semaphore, #tpu.memory_space<semaphore_mem>>
        tpu.enqueue_dma source(%arg25 : memref<16xf32, #tpu.memory_space<vmem>>) target(%arg10 : memref<16xf32, #tpu.memory_space<hbm>>) target_semaphore(%run_scoped3A : memref<!tpu.dma_semaphore, #tpu.memory_space<semaphore_mem>>)
        tpu.wait_dma2 semaphore(%run_scoped3A : memref<!tpu.dma_semaphore, #tpu.memory_space<semaphore_mem>>) src(%arg25 : memref<16xf32, #tpu.memory_space<vmem>>) dst(%arg10 : memref<16xf32, #tpu.memory_space<hbm>>)
        tpu.yield
      }) : () -> ()
    } else {
    }
    return
  }
}

module attributes {stable_mosaic.version = 14 : i64} {
  func.func @_tc_body(%arg0: memref<1x99xf32, #tpu.memory_space<vmem>>, %arg1: memref<99x128xf32, #tpu.memory_space<vmem>>, %arg2: memref<1x128xf32, #tpu.memory_space<vmem>>, %arg3: memref<99x128xf32, #tpu.memory_space<vmem>>, %arg4: memref<1x128xf32, #tpu.memory_space<vmem>>, %arg5: memref<1x128xf32, #tpu.memory_space<vmem>>, %arg6: memref<128x128xf32, #tpu.memory_space<vmem>>, %arg7: memref<1x128xf32, #tpu.memory_space<vmem>>, %arg8: memref<128x45xf32, #tpu.memory_space<vmem>>, %arg9: memref<1x45xf32, #tpu.memory_space<vmem>>, %arg10: memref<128x99xf32, #tpu.memory_space<vmem>>, %arg11: memref<1x99xf32, #tpu.memory_space<vmem>>, %arg12: memref<4x128x36xf32, #tpu.memory_space<vmem>>, %arg13: memref<4x36xf32, #tpu.memory_space<vmem>>, %arg14: memref<1x99xf32, #tpu.memory_space<vmem>>, %arg15: memref<4x36xf32, #tpu.memory_space<vmem>>, %arg16: memref<9x4xf32, #tpu.memory_space<vmem>>, %arg17: memref<1x81xf32, #tpu.memory_space<vmem>>, %arg18: memref<81x1xf32, #tpu.memory_space<vmem>>, %arg19: memref<45x81xf32, #tpu.memory_space<vmem>>, %arg20: memref<81x36xf32, #tpu.memory_space<vmem>>, %arg21: memref<9x81xf32, #tpu.memory_space<vmem>>, %arg22: memref<81x9xf32, #tpu.memory_space<vmem>>, %arg23: memref<9x81xf32, #tpu.memory_space<vmem>>, %arg24: memref<81x9xf32, #tpu.memory_space<vmem>>, %arg25: memref<9x81xf32, #tpu.memory_space<vmem>>, %arg26: memref<81x1xf32, #tpu.memory_space<vmem>>, %arg27: memref<1x81xf32, #tpu.memory_space<vmem>>, %arg28: memref<9x9xf32, #tpu.memory_space<vmem>>, %arg29: memref<1x48xf32, #tpu.memory_space<vmem>>, %arg30: memref<1x48xf32, #tpu.memory_space<vmem>>, %arg31: memref<1x8xf32, #tpu.memory_space<vmem>>) attributes {dimension_semantics = [], scalar_prefetch = 0 : i64, scratch_operands = 0 : i64, tpu.core_type = #tpu.core_type<tc>} {
    %get3A = arith.constant 0 : index
    %get3A_0 = arith.constant 0 : index
    %get3A_1 = vector.load %arg0[%get3A, %get3A_0] : memref<1x99xf32, #tpu.memory_space<vmem>>, vector<1x99xf32>
    %get3A_2 = arith.constant 0 : index
    %get3A_3 = arith.constant 0 : index
    %get3A_4 = vector.load %arg1[%get3A_2, %get3A_3] : memref<99x128xf32, #tpu.memory_space<vmem>>, vector<99x128xf32>
    %convert_element_type3A = arith.truncf %get3A_1 : vector<1x99xf32> to vector<1x99xbf16>
    %convert_element_type3A_5 = arith.extf %convert_element_type3A : vector<1x99xbf16> to vector<1x99xf32>
    %sub3A = arith.subf %get3A_1, %convert_element_type3A_5 : vector<1x99xf32>
    %convert_element_type3A_6 = arith.truncf %sub3A : vector<1x99xf32> to vector<1x99xbf16>
    %convert_element_type3A_7 = arith.truncf %get3A_4 : vector<99x128xf32> to vector<99x128xbf16>
    %dot_general3A = arith.constant dense<0.000000e+00> : vector<1x128xf32>
    %dot_general3A_8 = tpu.matmul %convert_element_type3A, %convert_element_type3A_7, %dot_general3A {dimension_numbers = #tpu.dot_dimension_numbers<[1], [0], [0], [1], [0, 0, 1, 1], [], []>, transpose_lhs_hint = false} : vector<1x99xbf16>, vector<99x128xbf16>, vector<1x128xf32> -> vector<1x128xf32>
    %dot_general3A_9 = arith.constant dense<0.000000e+00> : vector<1x128xf32>
    %dot_general3A_10 = tpu.matmul %convert_element_type3A_6, %convert_element_type3A_7, %dot_general3A_9 {dimension_numbers = #tpu.dot_dimension_numbers<[1], [0], [0], [1], [0, 0, 1, 1], [], []>, transpose_lhs_hint = false} : vector<1x99xbf16>, vector<99x128xbf16>, vector<1x128xf32> -> vector<1x128xf32>
    %add3A = arith.addf %dot_general3A_8, %dot_general3A_10 : vector<1x128xf32>
    %get3A_11 = arith.constant 0 : index
    %get3A_12 = arith.constant 0 : index
    %get3A_13 = vector.load %arg2[%get3A_11, %get3A_12] : memref<1x128xf32, #tpu.memory_space<vmem>>, vector<1x128xf32>
    %add3A_14 = arith.addf %add3A, %get3A_13 : vector<1x128xf32>
    %get3A_15 = arith.constant 0 : index
    %get3A_16 = arith.constant 0 : index
    %get3A_17 = vector.load %arg3[%get3A_15, %get3A_16] : memref<99x128xf32, #tpu.memory_space<vmem>>, vector<99x128xf32>
    %convert_element_type3A_18 = arith.truncf %get3A_1 : vector<1x99xf32> to vector<1x99xbf16>
    %convert_element_type3A_19 = arith.extf %convert_element_type3A_18 : vector<1x99xbf16> to vector<1x99xf32>
    %sub3A_20 = arith.subf %get3A_1, %convert_element_type3A_19 : vector<1x99xf32>
    %convert_element_type3A_21 = arith.truncf %sub3A_20 : vector<1x99xf32> to vector<1x99xbf16>
    %convert_element_type3A_22 = arith.truncf %get3A_17 : vector<99x128xf32> to vector<99x128xbf16>
    %dot_general3A_23 = arith.constant dense<0.000000e+00> : vector<1x128xf32>
    %dot_general3A_24 = tpu.matmul %convert_element_type3A_18, %convert_element_type3A_22, %dot_general3A_23 {dimension_numbers = #tpu.dot_dimension_numbers<[1], [0], [0], [1], [0, 0, 1, 1], [], []>, transpose_lhs_hint = false} : vector<1x99xbf16>, vector<99x128xbf16>, vector<1x128xf32> -> vector<1x128xf32>
    %dot_general3A_25 = arith.constant dense<0.000000e+00> : vector<1x128xf32>
    %dot_general3A_26 = tpu.matmul %convert_element_type3A_21, %convert_element_type3A_22, %dot_general3A_25 {dimension_numbers = #tpu.dot_dimension_numbers<[1], [0], [0], [1], [0, 0, 1, 1], [], []>, transpose_lhs_hint = false} : vector<1x99xbf16>, vector<99x128xbf16>, vector<1x128xf32> -> vector<1x128xf32>
    %add3A_27 = arith.addf %dot_general3A_24, %dot_general3A_26 : vector<1x128xf32>
    %get3A_28 = arith.constant 0 : index
    %get3A_29 = arith.constant 0 : index
    %get3A_30 = vector.load %arg4[%get3A_28, %get3A_29] : memref<1x128xf32, #tpu.memory_space<vmem>>, vector<1x128xf32>
    %add3A_31 = arith.addf %add3A_27, %get3A_30 : vector<1x128xf32>
    %get3A_32 = arith.constant 0 : index
    %get3A_33 = arith.constant 0 : index
    %get3A_34 = vector.load %arg5[%get3A_32, %get3A_33] : memref<1x128xf32, #tpu.memory_space<vmem>>, vector<1x128xf32>
    %mul3A = arith.constant 5.000000e-01 : f32
    %mul3A_35 = vector.broadcast %mul3A : f32 to vector<1x128xf32>
    %mul3A_36 = arith.mulf %mul3A_35, %add3A_31 : vector<1x128xf32>
    %exp3A = math.exp %mul3A_36 : vector<1x128xf32>
    %mul3A_37 = arith.mulf %get3A_34, %exp3A : vector<1x128xf32>
    %add3A_38 = arith.addf %add3A_14, %mul3A_37 : vector<1x128xf32>
    %get3A_39 = arith.constant 0 : index
    %get3A_40 = arith.constant 0 : index
    %get3A_41 = vector.load %arg6[%get3A_39, %get3A_40] : memref<128x128xf32, #tpu.memory_space<vmem>>, vector<128x128xf32>
    %convert_element_type3A_42 = arith.truncf %add3A_38 : vector<1x128xf32> to vector<1x128xbf16>
    %convert_element_type3A_43 = arith.extf %convert_element_type3A_42 : vector<1x128xbf16> to vector<1x128xf32>
    %sub3A_44 = arith.subf %add3A_38, %convert_element_type3A_43 : vector<1x128xf32>
    %convert_element_type3A_45 = arith.truncf %sub3A_44 : vector<1x128xf32> to vector<1x128xbf16>
    %convert_element_type3A_46 = arith.truncf %get3A_41 : vector<128x128xf32> to vector<128x128xbf16>
    %dot_general3A_47 = arith.constant dense<0.000000e+00> : vector<1x128xf32>
    %dot_general3A_48 = tpu.matmul %convert_element_type3A_42, %convert_element_type3A_46, %dot_general3A_47 {dimension_numbers = #tpu.dot_dimension_numbers<[1], [0], [0], [1], [0, 0, 1, 1], [], []>, transpose_lhs_hint = false} : vector<1x128xbf16>, vector<128x128xbf16>, vector<1x128xf32> -> vector<1x128xf32>
    %dot_general3A_49 = arith.constant dense<0.000000e+00> : vector<1x128xf32>
    %dot_general3A_50 = tpu.matmul %convert_element_type3A_45, %convert_element_type3A_46, %dot_general3A_49 {dimension_numbers = #tpu.dot_dimension_numbers<[1], [0], [0], [1], [0, 0, 1, 1], [], []>, transpose_lhs_hint = false} : vector<1x128xbf16>, vector<128x128xbf16>, vector<1x128xf32> -> vector<1x128xf32>
    %add3A_51 = arith.addf %dot_general3A_48, %dot_general3A_50 : vector<1x128xf32>
    %get3A_52 = arith.constant 0 : index
    %get3A_53 = arith.constant 0 : index
    %get3A_54 = vector.load %arg7[%get3A_52, %get3A_53] : memref<1x128xf32, #tpu.memory_space<vmem>>, vector<1x128xf32>
    %add3A_55 = arith.addf %add3A_51, %get3A_54 : vector<1x128xf32>
    %max3A = arith.constant 0.000000e+00 : f32
    %max3A_56 = vector.broadcast %max3A : f32 to vector<1x128xf32>
    %max3A_57 = arith.maximumf %add3A_55, %max3A_56 : vector<1x128xf32>
    %get3A_58 = arith.constant 0 : index
    %get3A_59 = arith.constant 0 : index
    %get3A_60 = vector.load %arg8[%get3A_58, %get3A_59] : memref<128x45xf32, #tpu.memory_space<vmem>>, vector<128x45xf32>
    %convert_element_type3A_61 = arith.truncf %max3A_57 : vector<1x128xf32> to vector<1x128xbf16>
    %convert_element_type3A_62 = arith.extf %convert_element_type3A_61 : vector<1x128xbf16> to vector<1x128xf32>
    %sub3A_63 = arith.subf %max3A_57, %convert_element_type3A_62 : vector<1x128xf32>
    %convert_element_type3A_64 = arith.truncf %sub3A_63 : vector<1x128xf32> to vector<1x128xbf16>
    %convert_element_type3A_65 = arith.truncf %get3A_60 : vector<128x45xf32> to vector<128x45xbf16>
    %dot_general3A_66 = arith.constant dense<0.000000e+00> : vector<1x45xf32>
    %dot_general3A_67 = tpu.matmul %convert_element_type3A_61, %convert_element_type3A_65, %dot_general3A_66 {dimension_numbers = #tpu.dot_dimension_numbers<[1], [0], [0], [1], [0, 0, 1, 1], [], []>, transpose_lhs_hint = false} : vector<1x128xbf16>, vector<128x45xbf16>, vector<1x45xf32> -> vector<1x45xf32>
    %dot_general3A_68 = arith.constant dense<0.000000e+00> : vector<1x45xf32>
    %dot_general3A_69 = tpu.matmul %convert_element_type3A_64, %convert_element_type3A_65, %dot_general3A_68 {dimension_numbers = #tpu.dot_dimension_numbers<[1], [0], [0], [1], [0, 0, 1, 1], [], []>, transpose_lhs_hint = false} : vector<1x128xbf16>, vector<128x45xbf16>, vector<1x45xf32> -> vector<1x45xf32>
    %add3A_70 = arith.addf %dot_general3A_67, %dot_general3A_69 : vector<1x45xf32>
    %get3A_71 = arith.constant 0 : index
    %get3A_72 = arith.constant 0 : index
    %get3A_73 = vector.load %arg9[%get3A_71, %get3A_72] : memref<1x45xf32, #tpu.memory_space<vmem>>, vector<1x45xf32>
    %add3A_74 = arith.addf %add3A_70, %get3A_73 : vector<1x45xf32>
    %logistic3A = arith.negf %add3A_74 : vector<1x45xf32>
    %logistic3A_75 = math.exp %logistic3A : vector<1x45xf32>
    %logistic3A_76 = arith.constant 1.000000e+00 : f32
    %logistic3A_77 = vector.broadcast %logistic3A_76 : f32 to vector<1x45xf32>
    %logistic3A_78 = arith.addf %logistic3A_77, %logistic3A_75 : vector<1x45xf32>
    %logistic3A_79 = arith.divf %logistic3A_77, %logistic3A_78 : vector<1x45xf32>
    %get3A_80 = arith.constant 0 : index
    %get3A_81 = arith.constant 0 : index
    %get3A_82 = vector.load %arg10[%get3A_80, %get3A_81] : memref<128x99xf32, #tpu.memory_space<vmem>>, vector<128x99xf32>
    %convert_element_type3A_83 = arith.truncf %max3A_57 : vector<1x128xf32> to vector<1x128xbf16>
    %convert_element_type3A_84 = arith.extf %convert_element_type3A_83 : vector<1x128xbf16> to vector<1x128xf32>
    %sub3A_85 = arith.subf %max3A_57, %convert_element_type3A_84 : vector<1x128xf32>
    %convert_element_type3A_86 = arith.truncf %sub3A_85 : vector<1x128xf32> to vector<1x128xbf16>
    %convert_element_type3A_87 = arith.truncf %get3A_82 : vector<128x99xf32> to vector<128x99xbf16>
    %dot_general3A_88 = arith.constant dense<0.000000e+00> : vector<1x99xf32>
    %dot_general3A_89 = tpu.matmul %convert_element_type3A_83, %convert_element_type3A_87, %dot_general3A_88 {dimension_numbers = #tpu.dot_dimension_numbers<[1], [0], [0], [1], [0, 0, 1, 1], [], []>, transpose_lhs_hint = false} : vector<1x128xbf16>, vector<128x99xbf16>, vector<1x99xf32> -> vector<1x99xf32>
    %dot_general3A_90 = arith.constant dense<0.000000e+00> : vector<1x99xf32>
    %dot_general3A_91 = tpu.matmul %convert_element_type3A_86, %convert_element_type3A_87, %dot_general3A_90 {dimension_numbers = #tpu.dot_dimension_numbers<[1], [0], [0], [1], [0, 0, 1, 1], [], []>, transpose_lhs_hint = false} : vector<1x128xbf16>, vector<128x99xbf16>, vector<1x99xf32> -> vector<1x99xf32>
    %add3A_92 = arith.addf %dot_general3A_89, %dot_general3A_91 : vector<1x99xf32>
    %get3A_93 = arith.constant 0 : index
    %get3A_94 = arith.constant 0 : index
    %get3A_95 = vector.load %arg11[%get3A_93, %get3A_94] : memref<1x99xf32, #tpu.memory_space<vmem>>, vector<1x99xf32>
    %add3A_96 = arith.addf %add3A_92, %get3A_95 : vector<1x99xf32>
    %get3A_97 = arith.constant 0 : index
    %get3A_98 = arith.constant 0 : index
    %get3A_99 = arith.constant 0 : index
    %get3A_100 = vector.load %arg12[%get3A_97, %get3A_98, %get3A_99] : memref<4x128x36xf32, #tpu.memory_space<vmem>>, vector<1x128x36xf32>
    %get3A_101 = vector.shape_cast %get3A_100 : vector<1x128x36xf32> to vector<128x36xf32>
    %convert_element_type3A_102 = arith.truncf %max3A_57 : vector<1x128xf32> to vector<1x128xbf16>
    %convert_element_type3A_103 = arith.extf %convert_element_type3A_102 : vector<1x128xbf16> to vector<1x128xf32>
    %sub3A_104 = arith.subf %max3A_57, %convert_element_type3A_103 : vector<1x128xf32>
    %convert_element_type3A_105 = arith.truncf %sub3A_104 : vector<1x128xf32> to vector<1x128xbf16>
    %convert_element_type3A_106 = arith.truncf %get3A_101 : vector<128x36xf32> to vector<128x36xbf16>
    %dot_general3A_107 = arith.constant dense<0.000000e+00> : vector<1x36xf32>
    %dot_general3A_108 = tpu.matmul %convert_element_type3A_102, %convert_element_type3A_106, %dot_general3A_107 {dimension_numbers = #tpu.dot_dimension_numbers<[1], [0], [0], [1], [0, 0, 1, 1], [], []>, transpose_lhs_hint = false} : vector<1x128xbf16>, vector<128x36xbf16>, vector<1x36xf32> -> vector<1x36xf32>
    %dot_general3A_109 = arith.constant dense<0.000000e+00> : vector<1x36xf32>
    %dot_general3A_110 = tpu.matmul %convert_element_type3A_105, %convert_element_type3A_106, %dot_general3A_109 {dimension_numbers = #tpu.dot_dimension_numbers<[1], [0], [0], [1], [0, 0, 1, 1], [], []>, transpose_lhs_hint = false} : vector<1x128xbf16>, vector<128x36xbf16>, vector<1x36xf32> -> vector<1x36xf32>
    %add3A_111 = arith.addf %dot_general3A_108, %dot_general3A_110 : vector<1x36xf32>
    %get3A_112 = arith.constant 0 : index
    %get3A_113 = arith.constant 0 : index
    %get3A_114 = vector.load %arg13[%get3A_112, %get3A_113] : memref<4x36xf32, #tpu.memory_space<vmem>>, vector<1x36xf32>
    %get3A_115 = vector.shape_cast %get3A_114 : vector<1x36xf32> to vector<36xf32>
    %reshape3A = vector.shape_cast %get3A_115 : vector<36xf32> to vector<1x36xf32>
    %add3A_116 = arith.addf %add3A_111, %reshape3A : vector<1x36xf32>
    %get3A_117 = arith.constant 1 : index
    %get3A_118 = arith.constant 0 : index
    %get3A_119 = arith.constant 0 : index
    %get3A_120 = vector.load %arg12[%get3A_117, %get3A_118, %get3A_119] : memref<4x128x36xf32, #tpu.memory_space<vmem>>, vector<1x128x36xf32>
    %get3A_121 = vector.shape_cast %get3A_120 : vector<1x128x36xf32> to vector<128x36xf32>
    %convert_element_type3A_122 = arith.truncf %max3A_57 : vector<1x128xf32> to vector<1x128xbf16>
    %convert_element_type3A_123 = arith.extf %convert_element_type3A_122 : vector<1x128xbf16> to vector<1x128xf32>
    %sub3A_124 = arith.subf %max3A_57, %convert_element_type3A_123 : vector<1x128xf32>
    %convert_element_type3A_125 = arith.truncf %sub3A_124 : vector<1x128xf32> to vector<1x128xbf16>
    %convert_element_type3A_126 = arith.truncf %get3A_121 : vector<128x36xf32> to vector<128x36xbf16>
    %dot_general3A_127 = arith.constant dense<0.000000e+00> : vector<1x36xf32>
    %dot_general3A_128 = tpu.matmul %convert_element_type3A_122, %convert_element_type3A_126, %dot_general3A_127 {dimension_numbers = #tpu.dot_dimension_numbers<[1], [0], [0], [1], [0, 0, 1, 1], [], []>, transpose_lhs_hint = false} : vector<1x128xbf16>, vector<128x36xbf16>, vector<1x36xf32> -> vector<1x36xf32>
    %dot_general3A_129 = arith.constant dense<0.000000e+00> : vector<1x36xf32>
    %dot_general3A_130 = tpu.matmul %convert_element_type3A_125, %convert_element_type3A_126, %dot_general3A_129 {dimension_numbers = #tpu.dot_dimension_numbers<[1], [0], [0], [1], [0, 0, 1, 1], [], []>, transpose_lhs_hint = false} : vector<1x128xbf16>, vector<128x36xbf16>, vector<1x36xf32> -> vector<1x36xf32>
    %add3A_131 = arith.addf %dot_general3A_128, %dot_general3A_130 : vector<1x36xf32>
    %get3A_132 = arith.constant 1 : index
    %get3A_133 = arith.constant 0 : index
    %get3A_134 = vector.load %arg13[%get3A_132, %get3A_133] : memref<4x36xf32, #tpu.memory_space<vmem>>, vector<1x36xf32>
    %get3A_135 = vector.shape_cast %get3A_134 : vector<1x36xf32> to vector<36xf32>
    %reshape3A_136 = vector.shape_cast %get3A_135 : vector<36xf32> to vector<1x36xf32>
    %add3A_137 = arith.addf %add3A_131, %reshape3A_136 : vector<1x36xf32>
    %get3A_138 = arith.constant 2 : index
    %get3A_139 = arith.constant 0 : index
    %get3A_140 = arith.constant 0 : index
    %get3A_141 = vector.load %arg12[%get3A_138, %get3A_139, %get3A_140] : memref<4x128x36xf32, #tpu.memory_space<vmem>>, vector<1x128x36xf32>
    %get3A_142 = vector.shape_cast %get3A_141 : vector<1x128x36xf32> to vector<128x36xf32>
    %convert_element_type3A_143 = arith.truncf %max3A_57 : vector<1x128xf32> to vector<1x128xbf16>
    %convert_element_type3A_144 = arith.extf %convert_element_type3A_143 : vector<1x128xbf16> to vector<1x128xf32>
    %sub3A_145 = arith.subf %max3A_57, %convert_element_type3A_144 : vector<1x128xf32>
    %convert_element_type3A_146 = arith.truncf %sub3A_145 : vector<1x128xf32> to vector<1x128xbf16>
    %convert_element_type3A_147 = arith.truncf %get3A_142 : vector<128x36xf32> to vector<128x36xbf16>
    %dot_general3A_148 = arith.constant dense<0.000000e+00> : vector<1x36xf32>
    %dot_general3A_149 = tpu.matmul %convert_element_type3A_143, %convert_element_type3A_147, %dot_general3A_148 {dimension_numbers = #tpu.dot_dimension_numbers<[1], [0], [0], [1], [0, 0, 1, 1], [], []>, transpose_lhs_hint = false} : vector<1x128xbf16>, vector<128x36xbf16>, vector<1x36xf32> -> vector<1x36xf32>
    %dot_general3A_150 = arith.constant dense<0.000000e+00> : vector<1x36xf32>
    %dot_general3A_151 = tpu.matmul %convert_element_type3A_146, %convert_element_type3A_147, %dot_general3A_150 {dimension_numbers = #tpu.dot_dimension_numbers<[1], [0], [0], [1], [0, 0, 1, 1], [], []>, transpose_lhs_hint = false} : vector<1x128xbf16>, vector<128x36xbf16>, vector<1x36xf32> -> vector<1x36xf32>
    %add3A_152 = arith.addf %dot_general3A_149, %dot_general3A_151 : vector<1x36xf32>
    %get3A_153 = arith.constant 2 : index
    %get3A_154 = arith.constant 0 : index
    %get3A_155 = vector.load %arg13[%get3A_153, %get3A_154] : memref<4x36xf32, #tpu.memory_space<vmem>>, vector<1x36xf32>
    %get3A_156 = vector.shape_cast %get3A_155 : vector<1x36xf32> to vector<36xf32>
    %reshape3A_157 = vector.shape_cast %get3A_156 : vector<36xf32> to vector<1x36xf32>
    %add3A_158 = arith.addf %add3A_152, %reshape3A_157 : vector<1x36xf32>
    %get3A_159 = arith.constant 3 : index
    %get3A_160 = arith.constant 0 : index
    %get3A_161 = arith.constant 0 : index
    %get3A_162 = vector.load %arg12[%get3A_159, %get3A_160, %get3A_161] : memref<4x128x36xf32, #tpu.memory_space<vmem>>, vector<1x128x36xf32>
    %get3A_163 = vector.shape_cast %get3A_162 : vector<1x128x36xf32> to vector<128x36xf32>
    %convert_element_type3A_164 = arith.truncf %max3A_57 : vector<1x128xf32> to vector<1x128xbf16>
    %convert_element_type3A_165 = arith.extf %convert_element_type3A_164 : vector<1x128xbf16> to vector<1x128xf32>
    %sub3A_166 = arith.subf %max3A_57, %convert_element_type3A_165 : vector<1x128xf32>
    %convert_element_type3A_167 = arith.truncf %sub3A_166 : vector<1x128xf32> to vector<1x128xbf16>
    %convert_element_type3A_168 = arith.truncf %get3A_163 : vector<128x36xf32> to vector<128x36xbf16>
    %dot_general3A_169 = arith.constant dense<0.000000e+00> : vector<1x36xf32>
    %dot_general3A_170 = tpu.matmul %convert_element_type3A_164, %convert_element_type3A_168, %dot_general3A_169 {dimension_numbers = #tpu.dot_dimension_numbers<[1], [0], [0], [1], [0, 0, 1, 1], [], []>, transpose_lhs_hint = false} : vector<1x128xbf16>, vector<128x36xbf16>, vector<1x36xf32> -> vector<1x36xf32>
    %dot_general3A_171 = arith.constant dense<0.000000e+00> : vector<1x36xf32>
    %dot_general3A_172 = tpu.matmul %convert_element_type3A_167, %convert_element_type3A_168, %dot_general3A_171 {dimension_numbers = #tpu.dot_dimension_numbers<[1], [0], [0], [1], [0, 0, 1, 1], [], []>, transpose_lhs_hint = false} : vector<1x128xbf16>, vector<128x36xbf16>, vector<1x36xf32> -> vector<1x36xf32>
    %add3A_173 = arith.addf %dot_general3A_170, %dot_general3A_172 : vector<1x36xf32>
    %get3A_174 = arith.constant 3 : index
    %get3A_175 = arith.constant 0 : index
    %get3A_176 = vector.load %arg13[%get3A_174, %get3A_175] : memref<4x36xf32, #tpu.memory_space<vmem>>, vector<1x36xf32>
    %get3A_177 = vector.shape_cast %get3A_176 : vector<1x36xf32> to vector<36xf32>
    %reshape3A_178 = vector.shape_cast %get3A_177 : vector<36xf32> to vector<1x36xf32>
    %add3A_179 = arith.addf %add3A_173, %reshape3A_178 : vector<1x36xf32>
    %concatenate3A = tpu.concatenate %add3A_116, %add3A_137, %add3A_158, %add3A_179 in 0 : vector<1x36xf32>, vector<1x36xf32>, vector<1x36xf32>, vector<1x36xf32> -> vector<4x36xf32>
    %reduce_max3A = arith.constant dense<0xFF800000> : vector<36xf32>
    %reduce_max3A_180 = vector.multi_reduction <maximumf>, %concatenate3A, %reduce_max3A [0] : vector<4x36xf32> to vector<36xf32>
    %broadcast_in_dim3A = vector.shape_cast %reduce_max3A_180 : vector<36xf32> to vector<1x36xf32>
    %sub3A_181 = vector.broadcast %broadcast_in_dim3A : vector<1x36xf32> to vector<4x36xf32>
    %sub3A_182 = arith.subf %concatenate3A, %sub3A_181 : vector<4x36xf32>
    %exp3A_183 = math.exp %sub3A_182 : vector<4x36xf32>
    %reduce_sum3A = arith.constant dense<0.000000e+00> : vector<36xf32>
    %reduce_sum3A_184 = vector.multi_reduction <add>, %exp3A_183, %reduce_sum3A [0] : vector<4x36xf32> to vector<36xf32>
    %broadcast_in_dim3A_185 = vector.shape_cast %reduce_sum3A_184 : vector<36xf32> to vector<1x36xf32>
    %div3A = vector.broadcast %broadcast_in_dim3A_185 : vector<1x36xf32> to vector<4x36xf32>
    %div3A_186 = arith.divf %exp3A_183, %div3A : vector<4x36xf32>
    %slice3A = vector.extract_strided_slice %div3A_186 {offsets = [0, 0], sizes = [4, 9], strides = [1, 1]} : vector<4x36xf32> to vector<4x9xf32>
    %get3A_187 = arith.constant 0 : index
    %get3A_188 = arith.constant 0 : index
    %get3A_189 = vector.load %arg16[%get3A_187, %get3A_188] : memref<9x4xf32, #tpu.memory_space<vmem>>, vector<9x4xf32>
    %dot_general3A_190 = arith.constant dense<0.000000e+00> : vector<9x9xf32>
    %dot_general3A_191 = tpu.matmul %get3A_189, %slice3A, %dot_general3A_190 {dimension_numbers = #tpu.dot_dimension_numbers<[1], [0], [0], [1], [0, 0, 1, 1], [], []>, precision = #tpu.contract_precision<fp32>, transpose_lhs_hint = false} : vector<9x4xf32>, vector<4x9xf32>, vector<9x9xf32> -> vector<9x9xf32>
    %mul3A_192 = arith.mulf %get3A_189, %get3A_189 : vector<9x4xf32>
    %reduce_sum3A_193 = arith.constant dense<0.000000e+00> : vector<9xf32>
    %reduce_sum3A_194 = vector.multi_reduction <add>, %mul3A_192, %reduce_sum3A_193 [1] : vector<9x4xf32> to vector<9xf32>
    %broadcast_in_dim3A_195 = vector.shape_cast %reduce_sum3A_194 : vector<9xf32> to vector<9x1xf32>
    %sqrt3A = math.sqrt %broadcast_in_dim3A_195 : vector<9x1xf32>
    %mul3A_196 = arith.mulf %slice3A, %slice3A : vector<4x9xf32>
    %reduce_sum3A_197 = arith.constant dense<0.000000e+00> : vector<9xf32>
    %reduce_sum3A_198 = vector.multi_reduction <add>, %mul3A_196, %reduce_sum3A_197 [0] : vector<4x9xf32> to vector<9xf32>
    %broadcast_in_dim3A_199 = vector.shape_cast %reduce_sum3A_198 : vector<9xf32> to vector<1x9xf32>
    %sqrt3A_200 = math.sqrt %broadcast_in_dim3A_199 : vector<1x9xf32>
    %mul3A_201 = vector.broadcast %sqrt3A : vector<9x1xf32> to vector<9x9xf32>
    %mul3A_202 = vector.broadcast %sqrt3A_200 : vector<1x9xf32> to vector<9x9xf32>
    %mul3A_203 = arith.mulf %mul3A_201, %mul3A_202 : vector<9x9xf32>
    %max3A_204 = arith.constant 9.99999993E-9 : f32
    %max3A_205 = vector.broadcast %max3A_204 : f32 to vector<9x9xf32>
    %max3A_206 = arith.maximumf %mul3A_203, %max3A_205 : vector<9x9xf32>
    %div3A_207 = arith.divf %dot_general3A_191, %max3A_206 : vector<9x9xf32>
    %get3A_208 = arith.constant 0 : index
    %get3A_209 = arith.constant 0 : index
    %get3A_210 = vector.load %arg17[%get3A_208, %get3A_209] : memref<1x81xf32, #tpu.memory_space<vmem>>, vector<1x81xf32>
    %get3A_211 = arith.constant 0 : index
    %get3A_212 = arith.constant 0 : index
    %get3A_213 = vector.load %arg18[%get3A_211, %get3A_212] : memref<81x1xf32, #tpu.memory_space<vmem>>, vector<81x1xf32>
    %get3A_214 = arith.constant 0 : index
    %get3A_215 = arith.constant 0 : index
    %get3A_216 = vector.load %arg19[%get3A_214, %get3A_215] : memref<45x81xf32, #tpu.memory_space<vmem>>, vector<45x81xf32>
    %dot_general3A_217 = arith.constant dense<0.000000e+00> : vector<1x81xf32>
    %dot_general3A_218 = tpu.matmul %logistic3A_79, %get3A_216, %dot_general3A_217 {dimension_numbers = #tpu.dot_dimension_numbers<[1], [0], [0], [1], [0, 0, 1, 1], [], []>, precision = #tpu.contract_precision<fp32>, transpose_lhs_hint = false} : vector<1x45xf32>, vector<45x81xf32>, vector<1x81xf32> -> vector<1x81xf32>
    %get3A_219 = arith.constant 0 : index
    %get3A_220 = arith.constant 0 : index
    %get3A_221 = vector.load %arg21[%get3A_219, %get3A_220] : memref<9x81xf32, #tpu.memory_space<vmem>>, vector<9x81xf32>
    %dot_general3A_222 = arith.constant dense<0.000000e+00> : vector<9x1xf32>
    %dot_general3A_223 = tpu.matmul %get3A_221, %get3A_213, %dot_general3A_222 {dimension_numbers = #tpu.dot_dimension_numbers<[1], [0], [0], [1], [0, 0, 1, 1], [], []>, precision = #tpu.contract_precision<fp32>, transpose_lhs_hint = false} : vector<9x81xf32>, vector<81x1xf32>, vector<9x1xf32> -> vector<9x1xf32>
    %get3A_224 = arith.constant 0 : index
    %get3A_225 = arith.constant 0 : index
    %get3A_226 = vector.load %arg22[%get3A_224, %get3A_225] : memref<81x9xf32, #tpu.memory_space<vmem>>, vector<81x9xf32>
    %dot_general3A_227 = arith.constant dense<0.000000e+00> : vector<1x9xf32>
    %dot_general3A_228 = tpu.matmul %dot_general3A_218, %get3A_226, %dot_general3A_227 {dimension_numbers = #tpu.dot_dimension_numbers<[1], [0], [0], [1], [0, 0, 1, 1], [], []>, precision = #tpu.contract_precision<fp32>, transpose_lhs_hint = false} : vector<1x81xf32>, vector<81x9xf32>, vector<1x9xf32> -> vector<1x9xf32>
    %mul3A_229 = vector.broadcast %dot_general3A_223 : vector<9x1xf32> to vector<9x9xf32>
    %mul3A_230 = vector.broadcast %dot_general3A_228 : vector<1x9xf32> to vector<9x9xf32>
    %mul3A_231 = arith.mulf %mul3A_229, %mul3A_230 : vector<9x9xf32>
    %mul3A_232 = arith.mulf %mul3A_231, %div3A_207 : vector<9x9xf32>
    %sub3A_233 = vector.broadcast %get3A_213 : vector<81x1xf32> to vector<81x81xf32>
    %sub3A_234 = vector.broadcast %dot_general3A_218 : vector<1x81xf32> to vector<81x81xf32>
    %sub3A_235 = arith.subf %sub3A_233, %sub3A_234 : vector<81x81xf32>
    %abs3A = math.absf %sub3A_235 : vector<81x81xf32>
    %get3A_236 = arith.constant 0 : index
    %get3A_237 = arith.constant 0 : index
    %get3A_238 = vector.load %arg26[%get3A_236, %get3A_237] : memref<81x1xf32, #tpu.memory_space<vmem>>, vector<81x1xf32>
    %mul3A_239 = vector.broadcast %get3A_238 : vector<81x1xf32> to vector<81x81xf32>
    %mul3A_240 = arith.mulf %abs3A, %mul3A_239 : vector<81x81xf32>
    %get3A_241 = arith.constant 0 : index
    %get3A_242 = arith.constant 0 : index
    %get3A_243 = vector.load %arg27[%get3A_241, %get3A_242] : memref<1x81xf32, #tpu.memory_space<vmem>>, vector<1x81xf32>
    %mul3A_244 = vector.broadcast %get3A_243 : vector<1x81xf32> to vector<81x81xf32>
    %mul3A_245 = arith.mulf %mul3A_240, %mul3A_244 : vector<81x81xf32>
    %get3A_246 = arith.constant 0 : index
    %get3A_247 = arith.constant 0 : index
    %get3A_248 = vector.load %arg22[%get3A_246, %get3A_247] : memref<81x9xf32, #tpu.memory_space<vmem>>, vector<81x9xf32>
    %get3A_249 = arith.constant 0 : index
    %get3A_250 = arith.constant 0 : index
    %get3A_251 = vector.load %arg21[%get3A_249, %get3A_250] : memref<9x81xf32, #tpu.memory_space<vmem>>, vector<9x81xf32>
    %dot_general3A_252 = arith.constant dense<0.000000e+00> : vector<9x81xf32>
    %dot_general3A_253 = tpu.matmul %mul3A_232, %get3A_251, %dot_general3A_252 {dimension_numbers = #tpu.dot_dimension_numbers<[1], [0], [0], [1], [0, 0, 1, 1], [], []>, precision = #tpu.contract_precision<fp32>, transpose_lhs_hint = false} : vector<9x9xf32>, vector<9x81xf32>, vector<9x81xf32> -> vector<9x81xf32>
    %dot_general3A_254 = arith.constant dense<0.000000e+00> : vector<81x81xf32>
    %dot_general3A_255 = tpu.matmul %get3A_248, %dot_general3A_253, %dot_general3A_254 {dimension_numbers = #tpu.dot_dimension_numbers<[1], [0], [0], [1], [0, 0, 1, 1], [], []>, precision = #tpu.contract_precision<fp32>, transpose_lhs_hint = false} : vector<81x9xf32>, vector<9x81xf32>, vector<81x81xf32> -> vector<81x81xf32>
    %add3A_256 = arith.addf %mul3A_245, %dot_general3A_255 : vector<81x81xf32>
    %get3A_257 = arith.constant 0 : index
    %get3A_258 = arith.constant 0 : index
    %get3A_259 = vector.load %arg23[%get3A_257, %get3A_258] : memref<9x81xf32, #tpu.memory_space<vmem>>, vector<9x81xf32>
    %get3A_260 = arith.constant 0 : index
    %get3A_261 = arith.constant 0 : index
    %get3A_262 = vector.load %arg24[%get3A_260, %get3A_261] : memref<81x9xf32, #tpu.memory_space<vmem>>, vector<81x9xf32>
    %get3A_263 = arith.constant 0 : index
    %get3A_264 = arith.constant 0 : index
    %get3A_265 = vector.load %arg25[%get3A_263, %get3A_264] : memref<9x81xf32, #tpu.memory_space<vmem>>, vector<9x81xf32>
    %get3A_266 = arith.constant 0 : index
    %get3A_267 = arith.constant 0 : index
    %get3A_268 = vector.load %arg26[%get3A_266, %get3A_267] : memref<81x1xf32, #tpu.memory_space<vmem>>, vector<81x1xf32>
    %broadcast_in_dim3A_269 = arith.constant 0.111111112 : f32
    %broadcast_in_dim3A_270 = vector.broadcast %broadcast_in_dim3A_269 : f32 to vector<9x9xf32>
    %scan3A = arith.constant 0 : i32
    %scan3A_271 = arith.constant 50 : i32
    %scan3A_272 = arith.addi %scan3A, %scan3A_271 : i32
    %scan3A_273 = arith.constant 1 : i32
    %scan3A_274 = scf.for %scan3A_351 = %scan3A to %scan3A_272 step %scan3A_273 iter_args(%scan3A_352 = %broadcast_in_dim3A_270) -> (vector<9x9xf32>)  : i32 {
      %dot_general3A_353 = arith.constant dense<0.000000e+00> : vector<9x81xf32>
      %dot_general3A_354 = tpu.matmul %scan3A_352, %get3A_259, %dot_general3A_353 {dimension_numbers = #tpu.dot_dimension_numbers<[1], [0], [0], [1], [0, 0, 1, 1], [], []>, precision = #tpu.contract_precision<fp32>, transpose_lhs_hint = false} : vector<9x9xf32>, vector<9x81xf32>, vector<9x81xf32> -> vector<9x81xf32>
      %dot_general3A_355 = arith.constant dense<0.000000e+00> : vector<81x81xf32>
      %dot_general3A_356 = tpu.matmul %get3A_262, %dot_general3A_354, %dot_general3A_355 {dimension_numbers = #tpu.dot_dimension_numbers<[1], [0], [0], [1], [0, 0, 1, 1], [], []>, precision = #tpu.contract_precision<fp32>, transpose_lhs_hint = false} : vector<81x9xf32>, vector<9x81xf32>, vector<81x81xf32> -> vector<81x81xf32>
      %mul3A_357 = arith.mulf %add3A_256, %dot_general3A_356 : vector<81x81xf32>
      %slice3A_358 = vector.extract_strided_slice %mul3A_357 {offsets = [0, 0], sizes = [81, 9], strides = [1, 1]} : vector<81x81xf32> to vector<81x9xf32>
      %reduce_max3A_359 = arith.constant dense<0xFF800000> : vector<81xf32>
      %reduce_max3A_360 = vector.multi_reduction <maximumf>, %slice3A_358, %reduce_max3A_359 [1] : vector<81x9xf32> to vector<81xf32>
      %broadcast_in_dim3A_361 = vector.shape_cast %reduce_max3A_360 : vector<81xf32> to vector<81x1xf32>
      %slice3A_362 = vector.extract_strided_slice %mul3A_357 {offsets = [0, 9], sizes = [81, 9], strides = [1, 1]} : vector<81x81xf32> to vector<81x9xf32>
      %reduce_max3A_363 = arith.constant dense<0xFF800000> : vector<81xf32>
      %reduce_max3A_364 = vector.multi_reduction <maximumf>, %slice3A_362, %reduce_max3A_363 [1] : vector<81x9xf32> to vector<81xf32>
      %broadcast_in_dim3A_365 = vector.shape_cast %reduce_max3A_364 : vector<81xf32> to vector<81x1xf32>
      %slice3A_366 = vector.extract_strided_slice %mul3A_357 {offsets = [0, 18], sizes = [81, 9], strides = [1, 1]} : vector<81x81xf32> to vector<81x9xf32>
      %reduce_max3A_367 = arith.constant dense<0xFF800000> : vector<81xf32>
      %reduce_max3A_368 = vector.multi_reduction <maximumf>, %slice3A_366, %reduce_max3A_367 [1] : vector<81x9xf32> to vector<81xf32>
      %broadcast_in_dim3A_369 = vector.shape_cast %reduce_max3A_368 : vector<81xf32> to vector<81x1xf32>
      %slice3A_370 = vector.extract_strided_slice %mul3A_357 {offsets = [0, 27], sizes = [81, 9], strides = [1, 1]} : vector<81x81xf32> to vector<81x9xf32>
      %reduce_max3A_371 = arith.constant dense<0xFF800000> : vector<81xf32>
      %reduce_max3A_372 = vector.multi_reduction <maximumf>, %slice3A_370, %reduce_max3A_371 [1] : vector<81x9xf32> to vector<81xf32>
      %broadcast_in_dim3A_373 = vector.shape_cast %reduce_max3A_372 : vector<81xf32> to vector<81x1xf32>
      %slice3A_374 = vector.extract_strided_slice %mul3A_357 {offsets = [0, 36], sizes = [81, 9], strides = [1, 1]} : vector<81x81xf32> to vector<81x9xf32>
      %reduce_max3A_375 = arith.constant dense<0xFF800000> : vector<81xf32>
      %reduce_max3A_376 = vector.multi_reduction <maximumf>, %slice3A_374, %reduce_max3A_375 [1] : vector<81x9xf32> to vector<81xf32>
      %broadcast_in_dim3A_377 = vector.shape_cast %reduce_max3A_376 : vector<81xf32> to vector<81x1xf32>
      %slice3A_378 = vector.extract_strided_slice %mul3A_357 {offsets = [0, 45], sizes = [81, 9], strides = [1, 1]} : vector<81x81xf32> to vector<81x9xf32>
      %reduce_max3A_379 = arith.constant dense<0xFF800000> : vector<81xf32>
      %reduce_max3A_380 = vector.multi_reduction <maximumf>, %slice3A_378, %reduce_max3A_379 [1] : vector<81x9xf32> to vector<81xf32>
      %broadcast_in_dim3A_381 = vector.shape_cast %reduce_max3A_380 : vector<81xf32> to vector<81x1xf32>
      %slice3A_382 = vector.extract_strided_slice %mul3A_357 {offsets = [0, 54], sizes = [81, 9], strides = [1, 1]} : vector<81x81xf32> to vector<81x9xf32>
      %reduce_max3A_383 = arith.constant dense<0xFF800000> : vector<81xf32>
      %reduce_max3A_384 = vector.multi_reduction <maximumf>, %slice3A_382, %reduce_max3A_383 [1] : vector<81x9xf32> to vector<81xf32>
      %broadcast_in_dim3A_385 = vector.shape_cast %reduce_max3A_384 : vector<81xf32> to vector<81x1xf32>
      %slice3A_386 = vector.extract_strided_slice %mul3A_357 {offsets = [0, 63], sizes = [81, 9], strides = [1, 1]} : vector<81x81xf32> to vector<81x9xf32>
      %reduce_max3A_387 = arith.constant dense<0xFF800000> : vector<81xf32>
      %reduce_max3A_388 = vector.multi_reduction <maximumf>, %slice3A_386, %reduce_max3A_387 [1] : vector<81x9xf32> to vector<81xf32>
      %broadcast_in_dim3A_389 = vector.shape_cast %reduce_max3A_388 : vector<81xf32> to vector<81x1xf32>
      %slice3A_390 = vector.extract_strided_slice %mul3A_357 {offsets = [0, 72], sizes = [81, 9], strides = [1, 1]} : vector<81x81xf32> to vector<81x9xf32>
      %reduce_max3A_391 = arith.constant dense<0xFF800000> : vector<81xf32>
      %reduce_max3A_392 = vector.multi_reduction <maximumf>, %slice3A_390, %reduce_max3A_391 [1] : vector<81x9xf32> to vector<81xf32>
      %broadcast_in_dim3A_393 = vector.shape_cast %reduce_max3A_392 : vector<81xf32> to vector<81x1xf32>
      %concatenate3A_394 = tpu.concatenate %broadcast_in_dim3A_361, %broadcast_in_dim3A_365, %broadcast_in_dim3A_369, %broadcast_in_dim3A_373, %broadcast_in_dim3A_377, %broadcast_in_dim3A_381, %broadcast_in_dim3A_385, %broadcast_in_dim3A_389, %broadcast_in_dim3A_393 in 1 : vector<81x1xf32>, vector<81x1xf32>, vector<81x1xf32>, vector<81x1xf32>, vector<81x1xf32>, vector<81x1xf32>, vector<81x1xf32>, vector<81x1xf32>, vector<81x1xf32> -> vector<81x9xf32>
      %mul3A_395 = vector.broadcast %get3A_268 : vector<81x1xf32> to vector<81x9xf32>
      %mul3A_396 = arith.mulf %concatenate3A_394, %mul3A_395 : vector<81x9xf32>
      %dot_general3A_397 = arith.constant dense<0.000000e+00> : vector<9x9xf32>
      %dot_general3A_398 = tpu.matmul %get3A_265, %mul3A_396, %dot_general3A_397 {dimension_numbers = #tpu.dot_dimension_numbers<[1], [0], [0], [1], [0, 0, 1, 1], [], []>, precision = #tpu.contract_precision<fp32>, transpose_lhs_hint = false} : vector<9x81xf32>, vector<81x9xf32>, vector<9x9xf32> -> vector<9x9xf32>
      %mul3A_399 = arith.mulf %scan3A_352, %mul3A_232 : vector<9x9xf32>
      %add3A_400 = arith.addf %mul3A_399, %dot_general3A_398 : vector<9x9xf32>
      %mul3A_401 = arith.mulf %add3A_400, %add3A_400 : vector<9x9xf32>
      %reduce_sum3A_402 = vector.shape_cast %mul3A_401 : vector<9x9xf32> to vector<1x9x9xf32>
      %reduce_sum3A_403 = arith.constant dense<0.000000e+00> : vector<1xf32>
      %reduce_sum3A_404 = vector.multi_reduction <add>, %reduce_sum3A_402, %reduce_sum3A_403 [1, 2] : vector<1x9x9xf32> to vector<1xf32>
      %reduce_sum3A_405 = vector.shape_cast %reduce_sum3A_404 : vector<1xf32> to vector<1x1x1xf32>
      %reduce_sum3A_406 = vector.extract %reduce_sum3A_405[0, 0, 0] : f32 from vector<1x1x1xf32>
      %sqrt3A_407 = math.sqrt %reduce_sum3A_406 : f32
      %div3A_408 = vector.broadcast %sqrt3A_407 : f32 to vector<9x9xf32>
      %div3A_409 = arith.divf %add3A_400, %div3A_408 : vector<9x9xf32>
      scf.yield %div3A_409 : vector<9x9xf32>
    }
    %swap3A = arith.constant 0 : index
    %swap3A_275 = arith.constant 0 : index
    %swap3A_276 = vector.load %arg28[%swap3A, %swap3A_275] : memref<9x9xf32, #tpu.memory_space<vmem>>, vector<9x9xf32>
    tpu.vector_store %arg28[%swap3A, %swap3A_275], %scan3A_274 {strides = array<i32>} : memref<9x9xf32, #tpu.memory_space<vmem>>, vector<9x9xf32>,
    %jit3A = arith.constant 1.000000e-07 : f32
    %jit3A_277 = arith.constant 0.99999988 : f32
    %max3A_278 = vector.broadcast %jit3A : f32 to vector<1x45xf32>
    %max3A_279 = arith.maximumf %max3A_278, %logistic3A_79 : vector<1x45xf32>
    %min3A = vector.broadcast %jit3A_277 : f32 to vector<1x45xf32>
    %min3A_280 = arith.minimumf %min3A, %max3A_279 : vector<1x45xf32>
    %broadcast_in_dim3A_281 = arith.constant 0.000000e+00 : f32
    %broadcast_in_dim3A_282 = vector.broadcast %broadcast_in_dim3A_281 : f32 to vector<1x3xf32>
    %log3A = math.log %min3A_280 : vector<1x45xf32>
    %concatenate3A_283 = tpu.concatenate %log3A, %broadcast_in_dim3A_282 in 1 : vector<1x45xf32>, vector<1x3xf32> -> vector<1x48xf32>
    %swap3A_284 = arith.constant 0 : index
    %swap3A_285 = arith.constant 0 : index
    %swap3A_286 = vector.load %arg29[%swap3A_284, %swap3A_285] : memref<1x48xf32, #tpu.memory_space<vmem>>, vector<1x48xf32>
    tpu.vector_store %arg29[%swap3A_284, %swap3A_285], %concatenate3A_283 {strides = array<i32>} : memref<1x48xf32, #tpu.memory_space<vmem>>, vector<1x48xf32>,
    %sub3A_287 = arith.constant 1.000000e+00 : f32
    %sub3A_288 = vector.broadcast %sub3A_287 : f32 to vector<1x45xf32>
    %sub3A_289 = arith.subf %sub3A_288, %min3A_280 : vector<1x45xf32>
    %log3A_290 = math.log %sub3A_289 : vector<1x45xf32>
    %concatenate3A_291 = tpu.concatenate %log3A_290, %broadcast_in_dim3A_282 in 1 : vector<1x45xf32>, vector<1x3xf32> -> vector<1x48xf32>
    %swap3A_292 = arith.constant 0 : index
    %swap3A_293 = arith.constant 0 : index
    %swap3A_294 = vector.load %arg30[%swap3A_292, %swap3A_293] : memref<1x48xf32, #tpu.memory_space<vmem>>, vector<1x48xf32>
    tpu.vector_store %arg30[%swap3A_292, %swap3A_293], %concatenate3A_291 {strides = array<i32>} : memref<1x48xf32, #tpu.memory_space<vmem>>, vector<1x48xf32>,
    %add3A_295 = arith.constant 1.000000e+00 : f32
    %add3A_296 = vector.broadcast %add3A_295 : f32 to vector<1x128xf32>
    %add3A_297 = arith.addf %add3A_296, %add3A_31 : vector<1x128xf32>
    %mul3A_298 = arith.mulf %add3A_14, %add3A_14 : vector<1x128xf32>
    %sub3A_299 = arith.subf %add3A_297, %mul3A_298 : vector<1x128xf32>
    %exp3A_300 = math.exp %add3A_31 : vector<1x128xf32>
    %sub3A_301 = arith.subf %sub3A_299, %exp3A_300 : vector<1x128xf32>
    %reduce_sum3A_302 = vector.shape_cast %sub3A_301 : vector<1x128xf32> to vector<1x1x128xf32>
    %reduce_sum3A_303 = arith.constant dense<0.000000e+00> : vector<1xf32>
    %reduce_sum3A_304 = vector.multi_reduction <add>, %reduce_sum3A_302, %reduce_sum3A_303 [1, 2] : vector<1x1x128xf32> to vector<1xf32>
    %reduce_sum3A_305 = vector.shape_cast %reduce_sum3A_304 : vector<1xf32> to vector<1x1x1xf32>
    %reduce_sum3A_306 = vector.extract %reduce_sum3A_305[0, 0, 0] : f32 from vector<1x1x1xf32>
    %mul3A_307 = arith.constant -5.000000e-01 : f32
    %mul3A_308 = arith.mulf %mul3A_307, %reduce_sum3A_306 : f32
    %div3A_309 = arith.constant 8.100000e+01 : f32
    %div3A_310 = arith.divf %mul3A_308, %div3A_309 : f32
    %get3A_311 = arith.constant 0 : index
    %get3A_312 = arith.constant 0 : index
    %get3A_313 = vector.load %arg14[%get3A_311, %get3A_312] : memref<1x99xf32, #tpu.memory_space<vmem>>, vector<1x99xf32>
    %sub3A_314 = arith.subf %add3A_96, %get3A_313 : vector<1x99xf32>
    %integer_pow3A = arith.mulf %sub3A_314, %sub3A_314 : vector<1x99xf32>
    %reduce_sum3A_315 = vector.shape_cast %integer_pow3A : vector<1x99xf32> to vector<1x1x99xf32>
    %reduce_sum3A_316 = arith.constant dense<0.000000e+00> : vector<1xf32>
    %reduce_sum3A_317 = vector.multi_reduction <add>, %reduce_sum3A_315, %reduce_sum3A_316 [1, 2] : vector<1x1x99xf32> to vector<1xf32>
    %reduce_sum3A_318 = vector.shape_cast %reduce_sum3A_317 : vector<1xf32> to vector<1x1x1xf32>
    %reduce_sum3A_319 = vector.extract %reduce_sum3A_318[0, 0, 0] : f32 from vector<1x1x1xf32>
    %div3A_320 = arith.constant 9.900000e+01 : f32
    %div3A_321 = arith.divf %reduce_sum3A_319, %div3A_320 : f32
    %get3A_322 = arith.constant 0 : index
    %get3A_323 = arith.constant 0 : index
    %get3A_324 = vector.load %arg20[%get3A_322, %get3A_323] : memref<81x36xf32, #tpu.memory_space<vmem>>, vector<81x36xf32>
    %dot_general3A_325 = arith.constant dense<0.000000e+00> : vector<1x36xf32>
    %dot_general3A_326 = tpu.matmul %get3A_210, %get3A_324, %dot_general3A_325 {dimension_numbers = #tpu.dot_dimension_numbers<[1], [0], [0], [1], [0, 0, 1, 1], [], []>, precision = #tpu.contract_precision<fp32>, transpose_lhs_hint = false} : vector<1x81xf32>, vector<81x36xf32>, vector<1x36xf32> -> vector<1x36xf32>
    %mul3A_327 = vector.broadcast %dot_general3A_326 : vector<1x36xf32> to vector<4x36xf32>
    %mul3A_328 = arith.mulf %div3A_186, %mul3A_327 : vector<4x36xf32>
    %get3A_329 = arith.constant 0 : index
    %get3A_330 = arith.constant 0 : index
    %get3A_331 = vector.load %arg15[%get3A_329, %get3A_330] : memref<4x36xf32, #tpu.memory_space<vmem>>, vector<4x36xf32>
    %sub3A_332 = arith.subf %mul3A_328, %get3A_331 : vector<4x36xf32>
    %integer_pow3A_333 = arith.mulf %sub3A_332, %sub3A_332 : vector<4x36xf32>
    %reduce_sum3A_334 = vector.shape_cast %integer_pow3A_333 : vector<4x36xf32> to vector<1x4x36xf32>
    %reduce_sum3A_335 = arith.constant dense<0.000000e+00> : vector<1xf32>
    %reduce_sum3A_336 = vector.multi_reduction <add>, %reduce_sum3A_334, %reduce_sum3A_335 [1, 2] : vector<1x4x36xf32> to vector<1xf32>
    %reduce_sum3A_337 = vector.shape_cast %reduce_sum3A_336 : vector<1xf32> to vector<1x1x1xf32>
    %reduce_sum3A_338 = vector.extract %reduce_sum3A_337[0, 0, 0] : f32 from vector<1x1x1xf32>
    %div3A_339 = arith.constant 1.440000e+02 : f32
    %div3A_340 = arith.divf %reduce_sum3A_338, %div3A_339 : f32
    %add3A_341 = arith.addf %div3A_310, %div3A_321 : f32
    %add3A_342 = arith.addf %add3A_341, %div3A_340 : f32
    %iota3A = tpu.iota {dimensions = array<i32: 1>} : vector<1x8xi32>
    %eq3A = arith.constant 0 : i32
    %eq3A_343 = vector.broadcast %eq3A : i32 to vector<1x8xi32>
    %eq3A_344 = arith.cmpi eq, %iota3A, %eq3A_343 : vector<1x8xi32>
    %jit3A_345 = arith.constant 0.000000e+00 : f32
    %broadcast_in_dim3A_346 = vector.broadcast %add3A_342 : f32 to vector<1x8xf32>
    %broadcast_in_dim3A_347 = vector.broadcast %jit3A_345 : f32 to vector<1x8xf32>
    %select_n3A = arith.select %eq3A_344, %broadcast_in_dim3A_346, %broadcast_in_dim3A_347 : vector<1x8xi1>, vector<1x8xf32>
    %swap3A_348 = arith.constant 0 : index
    %swap3A_349 = arith.constant 0 : index
    %swap3A_350 = vector.load %arg31[%swap3A_348, %swap3A_349] : memref<1x8xf32, #tpu.memory_space<vmem>>, vector<1x8xf32>
    tpu.vector_store %arg31[%swap3A_348, %swap3A_349], %select_n3A {strides = array<i32>} : memref<1x8xf32, #tpu.memory_space<vmem>>, vector<1x8xf32>,
    return
  }
}

</mosaic_0001>

<sc_bundles>
// kernel: kernel.4.cloned.1.call-start
scs
__scs_entry_jumppad:
0x0: {  	(pc) =	sbr.rel $0x88, $3  }
0x1: {  	(tag) =	ssettag $0x0;
	lr =	simm.s32 $0x1  }
0x2: {  	[smem:$0x3F91] =	sst lr;
	_ =	strace $0xD0000000  }
0x3: {  	_ = 	snop  }
0x4: {  	_ = 	snop  }
0x5: {  	_ = 	snop  }
0x6: {  	_ = 	snop  }
0x7: {  	_ = 	snop  }
__scs_overlays_trampoline_lowered:
0x8: {  	[smem:$0x3FA0] =	sst s0  }
0x9: {  	[smem:$0x3FA1] =	sst s1  }
0xa: {  	[smem:$0x3FA2] =	sst s2  }
0xb: {  	[smem:$0x3FA3] =	sst s3  }
0xc: {  	[smem:$0x3FA4] =	sst s4  }
0xd: {  	[smem:$0x3FA5] =	sst s5  }
0xe: {  	[smem:$0x3FA6] =	sst s6  }
0xf: {  	[smem:$0x3FA7] =	sst s7  }
0x10: {  	[smem:$0x3FA8] =	sst s8  }
0x11: {  	[smem:$0x3FA9] =	sst s9;
	s0 =	simm.s32 @!p0 $0x0  }
0x12: {  	s1 =	sld [smem:$0x3F8F];
	s0 =	simm.s32 @p0 $0x1  }
0x13: {  	[smem:$0x3FAA] =	sst s0;
	s0 =	simm.s32 @!p1 $0x0  }
0x14: {  	s2 =	sld [smem:$0x3F8E];
	s0 =	simm.s32 @p1 $0x1  }
0x15: {  	[smem:$0x3FAB] =	sst s0;
	s0 =	simm.s32 @!p2 $0x0  }
0x16: {  	s3 =	sld [smem:$0x3FDB];
	s0 =	simm.s32 @p2 $0x1  }
0x17: {  	s4 =	simm.s32 $0x1BF5;
	[smem:$0x3FAD] =	sst s0  }
0x18: {  	s0 =	sld [smem:$0x3F90];
	_ =	swait.ge [sflag:s4], $0x0  }
0x19: {  	s7 =	sld [smem:$0x3F91]  }
0x1a: {  	s8 =	sadd.s32 $0xFFFFE003, lr  }
0x1b: {  	s9 =	sadd.s32 $0xFFFFFEF7, lr;
	s5 =	simm.s32 $0xFFFFFFFF;
	p2 =	slt.u32 s8, $0xFFFFF086  }
0x1c: {  	p1 =	slt.u32 s9, $0xF7A;
	s5 =	simm.s32 @!p2 $0x0  }
0x1d: {  	s5 =	simm.s32 @p1 $0x1;
	p0 =	seq.s32 s7, s2  }
0x1e: {  	s7 =	smul.u32 @!p0 $0xF7A, s2;
	p2 =	seq.s32 @!p0 s5, $0x0  }
0x1f: {  	s9 =	smul.u32 $0xF7A, s1;
	s8 =	simm.s32 @!p0 $0x1BF5;
	p2 =	por !p2, p0  }
0x20: {  	[sflag:s8] =	ssyncset.s32 @!p0 $0xFFFFF086;
	s6 =	sadd.s32 @!p0 s3, s7;
	s7 =	simm.s32 @!p0 $0x108  }
0x21: {  	s3 =	sadd.s32 s3, s9;
	s6 =	sadd.s32 @!p0 $0x88, s6;
	s7 =	simm.s32 @p2 $0x1082  }
0x22: {  	[simem:s7], [sflag:s8] =	dma.local @!p0 [hbm:s6], $0xF7A  }
0x23: {  	s9 =	sor.u32 $0xD0000000, s2;
	s6 =	simm.s32 $0x108;
	_ =	swait.ge @!p0 [sflag:s8], $0x0  }
0x24: {  	s3 =	sadd.s32 $0x88, s3;
	s6 =	simm.s32 @!p1 $0x1082;
	[sflag:s4] =	ssyncset.s32 $0xFFFFF086  }
0x25: {  	[simem:s6], [sflag:s4] =	dma.local [hbm:s3], $0xF7A  }
0x26: {  	[smem:$0x3F91] =	sst s1;
	(tag) =	ssettag s2;
	_ =	strace s9  }
0x27: {  	s1 =	sld [smem:$0x3FA1]  }
0x28: {  	s2 =	sld [smem:$0x3FA2]  }
0x29: {  	s4 =	sld [smem:$0x3FA4]  }
0x2a: {  	p0 =	seq.s32 s5, $0x0;
	s5 =	sld [smem:$0x3FA5]  }
0x2b: {  	s6 =	sld [smem:$0x3FA6]  }
0x2c: {  	s7 =	sld [smem:$0x3FA7]  }
0x2d: {  	s3 =	simm.s32 $0x108;
	s8 =	sld [smem:$0x3FA8]  }
0x2e: {  	s3 =	simm.s32 @!p0 $0x1082;
	s9 =	sld [smem:$0x3FA9]  }
0x2f: {  	lr =	sadd.s32 s0, s3;
	s0 =	sld [smem:$0x3FA0]  }
0x30: {  	s3 =	sld [smem:$0x3FA3]  }
0x31: {  	[smem:$0x3FAC] =	sst s10  }
0x32: {  	s10 =	sld [smem:$0x3FAA];
	_ =	sdelay $0x3  }
0x33: {  	p0 =	seq.s32 s10, $0x1;
	s10 =	sld [smem:$0x3FAC];
	_ =	sdelay $0x3  }
0x34: {  	[smem:$0x3FAC] =	sst s10  }
0x35: {  	s10 =	sld [smem:$0x3FAB];
	_ =	sdelay $0x3  }
0x36: {  	p1 =	seq.s32 s10, $0x1;
	s10 =	sld [smem:$0x3FAC];
	_ =	sdelay $0x3  }
0x37: {  	[smem:$0x3FAC] =	sst s10  }
0x38: {  	s10 =	sld [smem:$0x3FAD]  }
0x39: {  	_ = 	snop;
	(pc) =	sbr.ind lr, $3  }
0x3a: {  	_ = 	snop  }
0x3b: {  	_ = 	snop  }
0x3c: {  	p2 =	seq.s32 s10, $0x1;
	s10 =	sld [smem:$0x3FAC]  }
0x3d: {  	_ =	shalt  }
0x3e: {  	_ =	shalt  }
0x3f: {  	_ =	shalt  }
0x40: {  	_ =	shalt  }
0x41: {  	_ =	shalt  }
0x42: {  	_ =	shalt  }
0x43: {  	_ =	shalt  }
0x44: {  	_ =	shalt  }
0x45: {  	_ =	shalt  }
0x46: {  	_ =	shalt  }
0x47: {  	_ =	shalt  }
0x48: {  	_ =	shalt  }
0x49: {  	_ =	shalt  }
0x4a: {  	_ =	shalt  }
0x4b: {  	_ =	shalt  }
0x4c: {  	_ =	shalt  }
0x4d: {  	_ =	shalt  }
0x4e: {  	_ =	shalt  }
0x4f: {  	_ =	shalt  }
0x50: {  	_ =	shalt  }
0x51: {  	_ =	shalt  }
0x52: {  	_ =	shalt  }
0x53: {  	_ =	shalt  }
0x54: {  	_ =	shalt  }
0x55: {  	_ =	shalt  }
0x56: {  	_ =	shalt  }
0x57: {  	_ =	shalt  }
0x58: {  	_ =	shalt  }
0x59: {  	_ =	shalt  }
0x5a: {  	_ =	shalt  }
0x5b: {  	_ =	shalt  }
0x5c: {  	_ =	shalt  }
0x5d: {  	_ =	shalt  }
0x5e: {  	_ =	shalt  }
0x5f: {  	_ =	shalt  }
0x60: {  	_ =	shalt  }
0x61: {  	_ =	shalt  }
0x62: {  	_ =	shalt  }
0x63: {  	_ =	shalt  }
0x64: {  	_ =	shalt  }
0x65: {  	_ =	shalt  }
0x66: {  	_ =	shalt  }
0x67: {  	_ =	shalt  }
0x68: {  	_ =	shalt  }
0x69: {  	_ =	shalt  }
0x6a: {  	_ =	shalt  }
0x6b: {  	_ =	shalt  }
0x6c: {  	_ =	shalt  }
0x6d: {  	_ =	shalt  }
0x6e: {  	_ =	shalt  }
0x6f: {  	_ =	shalt  }
0x70: {  	_ =	shalt  }
0x71: {  	_ =	shalt  }
0x72: {  	_ =	shalt  }
0x73: {  	_ =	shalt  }
0x74: {  	_ =	shalt  }
0x75: {  	_ =	shalt  }
0x76: {  	_ =	shalt  }
0x77: {  	_ =	shalt  }
0x78: {  	_ =	shalt  }
0x79: {  	_ =	shalt  }
0x7a: {  	_ =	shalt  }
0x7b: {  	_ =	shalt  }
0x7c: {  	_ =	shalt  }
0x7d: {  	_ =	shalt  }
0x7e: {  	_ =	shalt  }
0x7f: {  	_ =	shalt  }
0x80: {  	_ =	shalt  }
0x81: {  	_ =	shalt  }
0x82: {  	_ =	shalt  }
0x83: {  	_ =	shalt  }
0x84: {  	_ =	shalt  }
0x85: {  	_ =	shalt  }
0x86: {  	_ =	shalt  }
0x87: {  	_ =	shalt  }
.Lfunc_end0:
.L_simem_size_0:
called_computation_lowered:
.L_overlay_start_0:
0x88: {  	s2 =	sld [smem:$0x3FD9]  }
0x89: {  	s3 =	sld [smem:$0x3FFE];
	_ =	sdelay $0x1  }
0x8a: {  	s1 =	srdreg.scid  }
0x8b: {  	s0 =	sand.u32 $0x1, s1  }
0x8c: {  	s17 =	sshll.u32 s0, $0xA;
	s2 =	sadd.s32 s3, s2  }
0x8d: {  	s2 =	sadd.s32 s2, s17  }
0x8e: {  	[smem:$0x3FB8] =	sst s2  }
0x8f: {  	_ = 	snop  }
0x90: {  	s2 =	sld [smem:$0x3FD0];
	(tm) =	ssettm $0x1  }
0x91: {  	s18 =	sld [smem:$0x3FFB];
	_ =	sdelay $0x3  }
0x92: {  	_ =	strace s18  }
0x93: {  	s3 =	sld [smem:$0x3FFC];
	_ =	sdelay $0x3  }
0x94: {  	_ =	strace s3  }
0x95: {  	s3 =	sld [smem:$0x3FFD];
	_ =	sdelay $0x3  }
0x96: {  	_ =	strace s3  }
0x97: {  	_ =	strace $0x8FFFFFFF  }
0x98: {  	s19 =	sld [smem:$0x3FDB];
	_ =	sdelay $0x1  }
0x99: {  	s4 =	simm.s32 $_scs_section_size  }
0x9a: {  	s5 =	simm.s32 $_size__tile_overlayer_lowered;
	s6 =	simm.s32 $_tile_overlayer_lowered  }
0x9b: {  	s22 =	simm.s32 $0x1BFF;
	s21 =	sshll.u32 s6, $0x1;
	s3 =	sadd.s32 s4, s19  }
0x9c: {  	s7 =	simm.s32 $0x0;
	s20 =	sshll.u32 s5, $0x1;
	s5 =	sadd.s32 s21, s3  }
0x9d: {  	[timem:s7], [sflag:s22] =	dma.local [hbm:s5], s20  }
0x9e: {  	_ =	swait.ge [sflag:s22], s20  }
0x9f: {  	s4 =	ssub.s32 $0x0, s20;
	[sflag:s22] =	ssyncset.done $0x0  }
0xa0: {  	[sflag:s22] =	ssyncadd.s32 s4;
	_ =	sdelay $0x1  }
0xa1: {  	s23 =	simm.s32 $0x1B8B  }
0xa2: {  	_ =	swait.ge [sflag:s23], $0x1  }
0xa3: {  	[sflag:s23] =	ssyncset.done $0x0  }
0xa4: {  	s25 =	simm.s32 $0x1B8E;
	s24 =	sld [smem:$0x3FFE];
	[sflag:s23] =	ssyncadd.s32 $0xFFFFFFFF  }
0xa5: {  	s26 =	simm.s32 $execute0_lowered;
	[smem:$0x3FD2] =	sst s25  }
0xa6: {  	s5 =	sshll.u32 s26, $0x1;
	_ =	strace $0x80000046;
	[dreg:$0x1] =	wrdreg $0xFFFFFFFF  }
0xa7: {  	s28 =	simm.s32 $_size_execute0_lowered;
	s3 =	sadd.s32 s3, s5;
	[dreg:$0x0] =	wrdreg $0x0  }
0xa8: {  	s5 =	sshll.u32 s28, $0x1;
	[dreg:$0x2] =	wrdreg s3  }
0xa9: {  	[dreg:$0x3] =	wrdreg s5  }
0xaa: {  	[dreg:$0x4] =	wrdreg $0xC0  }
0xab: {  	_ =	task [dreg:s7], $0x5FFFF  }
0xac: {  	[dreg:$0x1] =	wrdreg $0xFFFFFFFF  }
0xad: {  	[dreg:$0x0] =	wrdreg $0x60  }
0xae: {  	[dreg:$0x2] =	wrdreg s24  }
0xaf: {  	[dreg:$0x3] =	wrdreg s2  }
0xb0: {  	[dreg:$0x4] =	wrdreg $0x195800  }
0xb1: {  	[dreg:$0x5] =	wrdreg $0x195A00  }
0xb2: {  	[dreg:$0x6] =	wrdreg $0x9  }
0xb3: {  	_ =	task.clear_ibuf [dreg:s7], $0x7FFFF;
	_ =	strace $0x90000046  }
0xb4: {  	s29 =	simm.s32 $0x9;
	_ =	strace $0x80000048  }
0xb5: {  	_ =	swait.ge [sflag:s29], $0x1  }
0xb6: {  	[sflag:s29] =	ssyncadd.s32 $0xFFFFFFFF  }
0xb7: {  	_ =	strace $0x90000048  }
0xb8: {  	_ =	sfence  }
0xb9: {  	s30 =	sld [smem:$0x0];
	_ =	sdelay $0x2  }
0xba: {  	s31 =	sshll.u32 s1, $0xD;
	s1 =	sshrl.u32 s1, $0x2  }
0xbb: {  	s3 =	sand.u32 $0x4000, s31;
	s1 =	sadd.s32 s1, s30  }
0xbc: {  	s0 =	sor.u32 s3, s0;
	s1 =	sshll.u32 s1, $0x11  }
0xbd: {  	s0 =	sor.u32 s1, s0  }
0xbe: {  	s0 =	sadd.s32 $0x8F2B, s0  }
0xbf: {  	[sflag:s0] =	ssyncadd.remote.s32 $0x1  }
0xc0: {  	_ =	sfence.sel $0xFFFF  }
0xc1: {  	[dreg:$0x0] =	wrdreg $0xFFFFFFFF;
	(pc) =	sbr.abs _section_cstart, $3  }
0xc2: {  	[dreg:$0x1] =	wrdreg $0xFFFFFFFF  }
0xc3: {  	_ =	task.clear_ibuf [dreg:s7], $0x2FFFF;
	_ =	strace $0x9FFFFFFF  }
0xc4: {  	(tm) =	ssettm $0x7FFFFFFF  }
0xc5: {  	_ =	shalt  }
tec
execute0_lowered:
.L_overlay_start_1:
0x0: {  	(tag) =	ssettag $0x1  }
0x1: {  	s0 =	rddreg [dreg:$0x0]  }
0x2: {  	s3 =	rddreg [dreg:$0x2]  }
0x3: {  	s1 =	srdreg.scid;
	s16 =	stileid.u32  }
0x4: {  	s4 =	rddreg [dreg:$0x3];
	s5 =	simm.s32 $0x0;
	s18 =	simm.s32 $0x19500  }
0x5: {  	s19 =	simm.s32 $0x1;
	s20 =	simm.s32 $0x80;
	s21 =	simm.s32 $0x400  }
0x6: {  	s22 =	simm.s32 $0x195C0;
	s23 =	simm.s32 $0x19640;
	s24 =	simm.s32 $0x196C0  }
0x7: {  	s25 =	simm.s32 $0x19740;
	s26 =	simm.s32 $0x197C0;
	s1 =	sand.u32 $0x1, s1  }
0x8: {  	s2 =	sshll.u32 s16, $0x1;
	s6 =	sshrl.u32 s16, $0x2;
	[smem:$0x7FF] =	sst s5  }
0x9: {  	s29 =	sadd.s32 $0x2A00, s0;
	s30 =	sadd.s32 $0x2600, s0;
	s9 =	sadd.s32 $0x2800, s0  }
0xa: {  	v0 =	vimm.s32 $0xFFEDCBA9;
	s10 =	sadd.s32 $0x2E00, s0;
	s11 =	sadd.s32 $0x3200, s0;
	s12 =	sadd.s32 $0x3000, s0  }
0xb: {  	v1 =	vimm.s32 $0x87654321;
	s17 =	smul.u32 $0x5A00, s16;
	_ =	strace $0x80000047;
	[dreg:$0x5] =	wrdreg s29  }
0xc: {  	v0 =	vunpack.c.l.s4.s8 v0;
	v1 =	vunpack.c.l.s4.s8 v1;
	s2 =	sor.u32 s1, s2;
	s6 =	smul.u32 $0xCA800, s6;
	[dreg:$0x6] =	wrdreg s30  }
0xd: {  	vm0 =	vmmov $0x1;
	vm1 =	vcmask $0x324;
	s14 =	ssub.s32 $0x2, s1;
	s1 =	smul.u32 $0x2D00, s1;
	s15 =	sshll.u32 s2, $0x7  }
.Ltmp0:
0xe: {  	vm2 =	vcmask $0x724;
	s31 =	sshrl.u32 s14, $0x1;
	v0 =	vunpack.c.0.s8.s32 v0;
	v1 =	vunpack.c.0.s8.s32 v1;
	s7 =	sand.u32 $0x380, s15;
	(pc) =	sbr.rel .LBB2_1-.Ltmp0, $4  }
0xf: {  	vm3 =	vcmask $0xB24;
	vm4 =	vcmask $0xF24;
	vm5 =	vcmask $0x1324;
	p0 =	sne.s32 s2, $0x0;
	s17 =	sadd.s32 s1, s17;
	s6 =	sor.u32 s6, s7  }
0x10: {  	vm6 =	vcmask $0x1724;
	vm7 =	vcmask $0x1B24;
	s1 =	simm.s32 $0x0;
	v1 =	vcombine.low v1, v0;
	s8 =	sshrl.u32 s6, $0x3;
	s6 =	sadd.s32 $0x2C00, s0  }
0x11: {  	v3 =	vimm.s32 $0x0;
	vm8 =	vcmask $0x1F24;
	v0 =	vlaneseq.u32;
	s13 =	sadd.s32 s8, s0;
	s0 =	ssub.s32 s14, s31;
	s14 =	sadd.s32 s15, s3  }
0x12: {  	vm9 =	vmmov $0x1fff;
	v2 =	vadd.s32 $0x1, v0;
	s15 =	sadd.s32 s15, s4;
	v1 =	vand.u32 $0xF, v1;
	s13 =	sadd.s32 $0x3400, s13;
	s16 =	smax.u32 s0, $0x1  }
.LBB2_6:
0x13: {  	[sflag:s19] =	ssyncset.done $0x0  }
0x14: {  	[sflag:s19] =	ssyncadd.s32 $0xFFFFFF80  }
0x15: {  	v8 =	vld [tilespmem:$0x195C0]  }
0x16: {  	v9 =	vld [tilespmem:$0x19640];
	_ =	sdelay $0x2  }
0x17: {  	vm10 =	vmor vm10, vm11  }
0x18: {  	v4 =	vsel vm10, v4, v6;
	v5 =	vsel vm10, v5, v7  }
0x19: {  	vm10 =	veq.f32 v8, v4;
	vm11 =	vlt.s32 v9, v5  }
0x1a: {  	vm12 =	vgt.f32 v8, v4;
	vm10 =	vmand vm10, vm11  }
0x1b: {  	vm10 =	vmor vm12, vm10  }
0x1c: {  	v4 =	vsel vm10, v8, v4  }
0x1d: {  	(xrf0) =	vmax.scan.msk.f32 $0xffff, v4;
	_ =	sdelay $0x5  }
0x1e: {  	v25, _, _ =	vpop (xrf0)  }
0x1f: {  	v6 =	vbroadcast v25, $0xF  }
0x20: {  	v5 =	vsel vm10, v9, v5  }
0x21: {  	vm10 =	veq.f32 v4, v6;
	v4 =	vxor.u32 $0x80000000, v5  }
0x22: {  	v4 =	vnsel vm10, $0xC0000000, v4  }
0x23: {  	(xrf0) =	vmin.scan.msk.u32 $0xffff, v4;
	_ =	sdelay $0x5  }
0x24: {  	v4, _, _ =	vpop (xrf0)  }
0x25: {  	(v2sf) =	vpush v4, $0xF;
	_ =	sdelay $0xe  }
0x26: {  	s28 =	spop (v2sf)  }
0x27: {  	s0 =	sxor.u32 $0x80000000, s28  }
0x28: {  	s2 =	smulhi.u32 $0xD00D00D1, s0;
	s29 =	sshra.s32 s0, $0x1F  }
0x29: {  	s29 =	smul.u32 $0xD00D00D1, s29  }
0x2a: {  	s2 =	ssub.s32 s2, s0  }
0x2b: {  	s2 =	sadd.s32 s29, s2  }
0x2c: {  	s2 =	sadd.s32 s0, s2  }
0x2d: {  	s30 =	sshrl.u32 s2, $0x1F;
	s2 =	sshra.s32 s2, $0xF  }
0x2e: {  	s2 =	sadd.s32 s30, s2  }
0x2f: {  	s29 =	smul.u32 $0xFFFF6280, s2  }
0x30: {  	p2 =	sgt.s32 s28, $0xFFFFFFFF;
	p1 =	slt.s32 s0, $0x1;
	s30 =	ssub.s32 $0x0, s0  }
0x31: {  	p1 =	por p2, p1;
	p6 =	sne.s32 s29, s30  }
0x32: {  	p1 =	por !p1, !p6  }
0x33: {  	s29 =	simm.s32 $0x1;
	p1 =	por !p1, !p1  }
0x34: {  	s29 =	simm.s32 @!p1 $0x0  }
0x35: {  	s2 =	ssub.s32 s2, s29  }
0x36: {  	s29 =	smul.u32 $0xFFFF6280, s2;
	_ =	sdelay $0x1  }
0x37: {  	s0 =	sadd.s32 s0, s29  }
0x38: {  	s29 =	smulhi.u32 $0xD00D00D1, s0;
	s31 =	sshra.s32 s0, $0x1F  }
0x39: {  	s30 =	smul.u32 $0xD00D00D1, s31  }
0x3a: {  	s29 =	ssub.s32 s29, s0  }
0x3b: {  	s29 =	sadd.s32 s30, s29  }
0x3c: {  	s29 =	sadd.s32 s0, s29  }
0x3d: {  	s7 =	sshrl.u32 s29, $0x1F;
	s29 =	sshra.s32 s29, $0xC  }
0x3e: {  	s29 =	sadd.s32 s7, s29  }
0x3f: {  	s30 =	smul.u32 $0xFFFFEC50, s29  }
0x40: {  	s31 =	ssub.s32 $0x0, s0  }
0x41: {  	p3 =	slt.s32 s0, $0x1;
	p4 =	sne.s32 s30, s31  }
0x42: {  	p1 =	por !p3, !p4  }
0x43: {  	s30 =	simm.s32 $0x1;
	p1 =	por !p1, !p1  }
0x44: {  	s30 =	simm.s32 @!p1 $0x0  }
0x45: {  	s29 =	ssub.s32 s29, s30  }
0x46: {  	s30 =	smul.u32 $0xFFFFEC50, s29;
	_ =	sdelay $0x1  }
0x47: {  	s0 =	sadd.s32 s0, s30  }
0x48: {  	s30 =	smulhi.u32 $0xB60B60B7, s0;
	s8 =	sshra.s32 s0, $0x1F  }
0x49: {  	s31 =	smul.u32 $0xB60B60B7, s8  }
0x4a: {  	s30 =	ssub.s32 s30, s0  }
0x4b: {  	s30 =	sadd.s32 s31, s30  }
0x4c: {  	s30 =	sadd.s32 s0, s30  }
0x4d: {  	s7 =	sshrl.u32 s30, $0x1F;
	s30 =	sshra.s32 s30, $0x9  }
0x4e: {  	s30 =	sadd.s32 s7, s30  }
0x4f: {  	s31 =	smul.u32 $0xFFFFFD30, s30  }
0x50: {  	s7 =	ssub.s32 $0x0, s0  }
0x51: {  	p5 =	slt.s32 s0, $0x1;
	p6 =	sne.s32 s31, s7  }
0x52: {  	p1 =	por !p5, !p6  }
0x53: {  	s7 =	simm.s32 $0x1;
	p1 =	por !p1, !p1  }
0x54: {  	s7 =	simm.s32 @!p1 $0x0  }
0x55: {  	s7 =	ssub.s32 s30, s7  }
0x56: {  	s30 =	smul.u32 $0xFFFFFD30, s7;
	_ =	sdelay $0x1  }
0x57: {  	s0 =	sadd.s32 s0, s30  }
0x58: {  	s30 =	smulhi.u32 $0x88888889, s0;
	s8 =	sshra.s32 s0, $0x1F  }
0x59: {  	s31 =	smul.u32 $0x88888889, s8  }
0x5a: {  	s30 =	ssub.s32 s30, s0  }
0x5b: {  	s30 =	sadd.s32 s31, s30  }
0x5c: {  	s30 =	sadd.s32 s0, s30  }
0x5d: {  	s8 =	sshrl.u32 s30, $0x1F;
	s30 =	sshra.s32 s30, $0x6  }
0x5e: {  	s30 =	sadd.s32 s8, s30  }
0x5f: {  	s31 =	smul.u32 $0xFFFFFF88, s30  }
0x60: {  	[tilespmem:$0x196C0] =	vst v0;
	s8 =	ssub.s32 $0x0, s0  }
0x61: {  	v4 =	vld.idx.msk [tilespmem:v1+s24+$0x0], $0xffff;
	p4 =	slt.s32 s0, $0x1;
	p3 =	sne.s32 s31, s8  }
0x62: {  	p1 =	por !p4, !p3  }
0x63: {  	s8 =	simm.s32 $0x1;
	p1 =	por !p1, !p1  }
0x64: {  	v5 =	vmov s2;
	s8 =	simm.s32 @!p1 $0x0  }
0x65: {  	vm10 =	vgt.s32 v5, v0;
	s2 =	ssub.s32 s30, s8  }
0x66: {  	v4 =	vsel vm10, v0, v4;
	s8 =	smul.u32 $0xFFFFFF88, s2  }
0x67: {  	[tilespmem:$0x196C0] =	vst v4  }
0x68: {  	v26 =	vld.idx.msk [tilespmem:v1+s24+$0x0], $0xffff;
	s0 =	sadd.s32 s0, s8  }
0x69: {  	s8 =	smulhi.u32 $0x2AAAAAAB, s0;
	s31 =	sshra.s32 s0, $0x1F  }
0x6a: {  	s30 =	smul.u32 $0x2AAAAAAB, s31  }
0x6b: {  	v27 =	vmov s29  }
0x6c: {  	vm10 =	vlt.s32 v27, v2;
	s8 =	sadd.s32 s30, s8  }
0x6d: {  	v6 =	vsel vm10, v26, v4;
	s30 =	sshrl.u32 s8, $0x1F;
	s8 =	sshra.s32 s8, $0x2  }
0x6e: {  	[tilespmem:$0x196C0] =	vst v6;
	s8 =	sadd.s32 s30, s8  }
0x6f: {  	v28 =	vld.idx.msk [tilespmem:v1+s24+$0x0], $0xffff;
	s29 =	smul.u32 $0xFFFFFFE8, s8  }
0x70: {  	s31 =	ssub.s32 $0x0, s0  }
0x71: {  	p6 =	slt.s32 s0, $0x1;
	p5 =	sne.s32 s29, s31  }
0x72: {  	v29 =	vmov s7;
	p1 =	por !p6, !p5  }
0x73: {  	s7 =	simm.s32 $0x1;
	vm10 =	vlt.s32 v29, v2;
	p1 =	por !p1, !p1  }
0x74: {  	v8 =	vsel vm10, v28, v6;
	s7 =	simm.s32 @!p1 $0x0  }
0x75: {  	[tilespmem:$0x196C0] =	vst v8;
	s7 =	ssub.s32 s8, s7  }
0x76: {  	v10 =	vld.idx.msk [tilespmem:v1+s24+$0x0], $0xffff;
	s8 =	smul.u32 $0xFFFFFFE8, s7;
	_ =	sdelay $0x1  }
0x77: {  	s0 =	sadd.s32 s0, s8  }
0x78: {  	v11 =	vmov s2;
	s30 =	smulhi.u32 $0x2AAAAAAB, s0;
	s8 =	sshra.s32 s0, $0x1F  }
0x79: {  	vm10 =	vlt.s32 v11, v2;
	s8 =	smul.u32 $0x2AAAAAAB, s8  }
0x7a: {  	v10 =	vsel vm10, v10, v8  }
0x7b: {  	[tilespmem:$0x196C0] =	vst v10;
	s2 =	sadd.s32 s8, s30  }
0x7c: {  	v12 =	vld.idx.msk [tilespmem:v1+s24+$0x0], $0xffff;
	s8 =	sshrl.u32 s2, $0x1F  }
0x7d: {  	s2 =	sadd.s32 s8, s2  }
0x7e: {  	s8 =	smul.u32 $0xFFFFFFFA, s2  }
0x7f: {  	v13 =	vmov s7;
	s31 =	ssub.s32 $0x0, s0  }
0x80: {  	vm10 =	vlt.s32 v13, v2;
	p3 =	slt.s32 s0, $0x1;
	p4 =	sne.s32 s8, s31  }
0x81: {  	v12 =	vsel vm10, v12, v10;
	p1 =	por !p3, !p4  }
0x82: {  	s7 =	simm.s32 $0x1;
	[tilespmem:$0x196C0] =	vst v12;
	p1 =	por !p1, !p1  }
0x83: {  	v14 =	vld.idx.msk [tilespmem:v1+s24+$0x0], $0xffff;
	s7 =	simm.s32 @!p1 $0x0  }
0x84: {  	s2 =	ssub.s32 s2, s7  }
0x85: {  	s7 =	smul.u32 $0xFFFFFFFA, s2  }
0x86: {  	v15 =	vmov s2  }
0x87: {  	vm10 =	vlt.s32 v15, v2;
	s0 =	sadd.s32 s0, s7;
	s7 =	sand.u32 $0x1, s28  }
0x88: {  	v14 =	vsel vm10, v14, v12;
	p5 =	slt.s32 s0, $0x1;
	p6 =	seq.s32 s7, $0x1  }
0x89: {  	[tilespmem:$0x196C0] =	vst v14;
	s8 =	sshrl.u32 s0, $0x1F;
	p1 =	por !p5, !p6  }
0x8a: {  	s7 =	simm.s32 $0x1;
	s2 =	sadd.s32 s8, s0;
	v16 =	vld.idx.msk [tilespmem:v1+s24+$0x0], $0xffff;
	p1 =	por !p1, !p1  }
0x8b: {  	s2 =	sshra.s32 s2, $0x1;
	s7 =	simm.s32 @!p1 $0x0  }
0x8c: {  	s2 =	ssub.s32 s2, s7  }
0x8d: {  	v17 =	vmov s2  }
0x8e: {  	vm10 =	veq.s32 v5, v0;
	vm11 =	vlt.s32 v17, v2  }
0x8f: {  	v30 =	vnsel vm10, $0x0, v0;
	v5 =	vsel vm11, v16, v14;
	vm11 =	veq.s32 v27, v0  }
0x90: {  	vm10 =	veq.s32 v29, v0;
	(xrf0) =	vadd.scan.msk.s32 $0xffff, v30;
	v4 =	vnsel vm11, $0x0, v4;
	[tilespmem:$0x196C0] =	vst v5  }
0x91: {  	(xrf0) =	vadd.scan.msk.s32 $0xffff, v4;
	v4 =	vnsel vm10, $0x0, v6;
	vm10 =	veq.s32 v11, v0;
	v31 =	vld.idx.msk [tilespmem:v1+s24+$0x0], $0xffff  }
0x92: {  	s2 =	sshll.u32 s2, $0x1;
	(xrf0) =	vadd.scan.msk.s32 $0xffff, v4;
	v4 =	vnsel vm10, $0x0, v8;
	vm10 =	veq.s32 v13, v0  }
0x93: {  	s0 =	ssub.s32 s0, s2;
	(xrf0) =	vadd.scan.msk.s32 $0xffff, v4;
	v4 =	vnsel vm10, $0x0, v10;
	vm10 =	veq.s32 v15, v0  }
0x94: {  	v32 =	vmov s0;
	(xrf0) =	vadd.scan.msk.s32 $0xffff, v4;
	v4 =	vnsel vm10, $0x0, v12;
	vm10 =	veq.s32 v17, v0  }
0x95: {  	vm11 =	vlt.s32 v32, v2;
	(xrf0) =	vadd.scan.msk.s32 $0xffff, v4;
	v4 =	vnsel vm10, $0x0, v14;
	vm10 =	veq.s32 v32, v0  }
0x96: {  	v33, _, _ =	vpop (xrf0);
	(xrf0) =	vadd.scan.msk.s32 $0xffff, v4;
	v4 =	vnsel vm10, $0x0, v5;
	v5 =	vsel vm11, v31, v5  }
0x97: {  	v35, _, _ =	vpop (xrf0);
	(xrf0) =	vadd.scan.msk.s32 $0xffff, v4;
	v4 =	vnsel vm0, $0x0, v5  }
0x98: {  	v34 =	vbroadcast v33, $0xF  }
0x99: {  	v7 =	vbroadcast v35, $0xF;
	v36, _, _ =	vpop (xrf0);
	(xrf0) =	vadd.scan.msk.s32 $0xffff, v4  }
0x9a: {  	v6 =	vnsel vm0, $0x0, v34;
	v8 =	vbroadcast v36, $0xF;
	v4, _, _ =	vpop (xrf0)  }
0x9b: {  	v6 =	vsel vm1, v6, v7;
	v37, _, _ =	vpop (xrf0);
	v4 =	vbroadcast v4, $0xF  }
0x9c: {  	v6 =	vsel vm2, v6, v8;
	v38, _, _ =	vpop (xrf0);
	v39 =	vbroadcast v37, $0xF  }
0x9d: {  	v40, _, _ =	vpop (xrf0);
	v4 =	vsel vm3, v6, v4;
	v41 =	vbroadcast v38, $0xF  }
0x9e: {  	v42, _, _ =	vpop (xrf0);
	v4 =	vsel vm4, v4, v39;
	v43 =	vbroadcast v40, $0xF  }
0x9f: {  	[tilespmem:$0x196C0] =	vst v5;
	v4 =	vsel vm5, v4, v41;
	v44 =	vbroadcast v42, $0xF;
	v5, _, _ =	vpop (xrf0)  }
0xa0: {  	v4 =	vsel vm6, v4, v43;
	v5 =	vbroadcast v5, $0xF  }
0xa1: {  	v45 =	vld.idx.msk [tilespmem:v1+s24+$0x0], $0xffff;
	v4 =	vsel vm7, v4, v44  }
0xa2: {  	v4 =	vsel vm8, v4, v5;
	_ =	sdelay $0x2  }
0xa3: {  	[tilespmem:$0x19740] =	vst v3  }
0xa4: {  	[tilespmem:$0x196C0] =	vst v45  }
0xa5: {  	s28 =	rddreg [dreg:$0x5];
	[tilespmem:v4+s25+$0x0] =	vst.idx.msk $0x1ff, v0  }
0xa6: {  	[tilespmem:s26], [sflag:$0x1] =	stream.linear.gather [hbm4b:s28+s5], $0x80, $0x38;
	[tilespmem:$0x19B40] =	vst v63  }
0xa7: {  	_ =	swait.ge [sflag:s19], $0x80  }
0xa8: {  	[sflag:s19] =	ssyncset.done $0x0  }
0xa9: {  	s30 =	simm.s32 $0x19840;
	s29 =	rddreg [dreg:$0x6];
	[sflag:s19] =	ssyncadd.s32 $0xFFFFFF80  }
0xaa: {  	[tilespmem:s30], [sflag:$0x1] =	stream.linear.gather [hbm4b:s29+s5], $0x80, $0x38;
	[tilespmem:$0x19B40] =	vst v63  }
0xab: {  	_ =	swait.ge [sflag:s19], $0x80  }
0xac: {  	[sflag:s19] =	ssyncset.done $0x0  }
0xad: {  	s31 =	simm.s32 $0x198C0;
	[sflag:s19] =	ssyncadd.s32 $0xFFFFFF80  }
0xae: {  	[tilespmem:s31], [sflag:$0x1] =	stream.linear.gather [hbm4b:s9+s5], $0x80, $0x38;
	[tilespmem:$0x19B40] =	vst v63  }
0xaf: {  	_ =	swait.ge [sflag:s19], $0x80  }
0xb0: {  	[sflag:s19] =	ssyncset.done $0x0  }
0xb1: {  	s2 =	simm.s32 $0x19940;
	[sflag:s19] =	ssyncadd.s32 $0xFFFFFF80  }
0xb2: {  	[tilespmem:s2], [sflag:$0x1] =	stream.linear.gather [hbm4b:s10+s5], $0x80, $0x38;
	[tilespmem:$0x19B40] =	vst v63  }
0xb3: {  	_ =	swait.ge [sflag:s19], $0x80  }
0xb4: {  	[sflag:s19] =	ssyncset.done $0x0  }
0xb5: {  	s7 =	simm.s32 $0x199C0;
	[sflag:s19] =	ssyncadd.s32 $0xFFFFFF80  }
0xb6: {  	[tilespmem:s7], [sflag:$0x1] =	stream.linear.gather [hbm4b:s11+s5], $0x80, $0x38;
	[tilespmem:$0x19B40] =	vst v63  }
0xb7: {  	_ =	swait.ge [sflag:s19], $0x80  }
0xb8: {  	[sflag:s19] =	ssyncset.done $0x0  }
0xb9: {  	s8 =	simm.s32 $0x19A40;
	[sflag:s19] =	ssyncadd.s32 $0xFFFFFF80  }
0xba: {  	[tilespmem:s8], [sflag:$0x1] =	stream.linear.gather [hbm4b:s12+s5], $0x80, $0x38;
	[tilespmem:$0x19B40] =	vst v63  }
0xbb: {  	_ =	swait.ge [sflag:s19], $0x80  }
0xbc: {  	[sflag:s19] =	ssyncset.done $0x0  }
0xbd: {  	[sflag:s19] =	ssyncadd.s32 $0xFFFFFF80  }
0xbe: {  	v4 =	vld [tilespmem:$0x199C0]  }
0xbf: {  	v5 =	vld [tilespmem:$0x19A40]  }
0xc0: {  	v46 =	vld [tilespmem:$0x199D0]  }
0xc1: {  	v48 =	vld [tilespmem:$0x199E0]  }
0xc2: {  	v47 =	vld [tilespmem:$0x19A50]  }
0xc3: {  	v49 =	vld [tilespmem:$0x19A60];
	_ =	sdelay $0x2  }
0xc4: {  	v4 =	vld.idx.msk [tilespmem:v4+s25+$0x0], $0xffff  }
0xc5: {  	v5 =	vld.idx.msk [tilespmem:v5+s25+$0x0], $0xffff  }
0xc6: {  	v6 =	vld.idx.msk [tilespmem:v46+s25+$0x0], $0xffff  }
0xc7: {  	v8 =	vld.idx.msk [tilespmem:v48+s25+$0x0], $0xffff  }
0xc8: {  	v7 =	vld.idx.msk [tilespmem:v47+s25+$0x0], $0xffff  }
0xc9: {  	v50 =	vld.idx.msk [tilespmem:v49+s25+$0x0], $0xffff;
	v4 =	vmul.u32 $0x9, v4;
	_ =	sdelay $0x1  }
0xca: {  	v4 =	vadd.s32 v5, v4;
	v5 =	vmul.u32 $0x9, v6  }
0xcb: {  	v51 =	vmul.u32 $0x9, v8  }
0xcc: {  	v52 =	vld [tilespmem:$0x19840];
	v5 =	vadd.s32 v7, v5  }
0xcd: {  	v53 =	vld [tilespmem:$0x198C0];
	v6 =	vadd.s32 v50, v51  }
0xce: {  	v54 =	vld [tilespmem:$0x19850]  }
0xcf: {  	v4 =	vld.idx.msk [tilespmem:v4+s26+$0x0], $0xffff  }
0xd0: {  	v55 =	vld [tilespmem:$0x198D0]  }
0xd1: {  	v5 =	vld.idx.msk [tilespmem:v5+s26+$0x0], $0xffff  }
0xd2: {  	v6 =	vld.idx.msk [tilespmem:v6+s26+$0x0], $0xffff  }
0xd3: {  	v56 =	vld [tilespmem:$0x19860]  }
0xd4: {  	v58 =	vld [tilespmem:$0x198E0];
	v57 =	vsub.f32 $1.000000000e+00, v4;
	_ =	sdelay $0x1  }
0xd5: {  	v4 =	vmul.f32 v52, v4;
	v7 =	vmul.f32 v53, v57;
	v59 =	vsub.f32 $1.000000000e+00, v5  }
0xd6: {  	v60 =	vsub.f32 $1.000000000e+00, v6  }
0xd7: {  	v5 =	vmul.f32 v54, v5;
	v4 =	vadd.f32 v7, v4;
	v61 =	vmul.f32 v55, v59  }
0xd8: {  	v6 =	vmul.f32 v56, v6;
	v62 =	vmul.f32 v58, v60  }
0xd9: {  	v5 =	vadd.f32 v61, v5;
	v4 =	vadd.f32 $0.0e+00, v4  }
0xda: {  	v6 =	vadd.f32 v62, v6  }
0xdb: {  	v4 =	vadd.f32 v5, v4  }
0xdc: {  	v63 =	vld [tilespmem:$0x19940];
	v5 =	vnsel vm9, $0x0, v6  }
0xdd: {  	v4 =	vadd.f32 v5, v4;
	_ =	sdelay $0x1  }
0xde: {  	(xrf2) =	vadd.scan.msk.f32 $0xffff, v4;
	_ =	sdelay $0x1  }
0xdf: {  	(xrf2) =	vadd.scan.msk.f32 $0xffff, v63;
	_ =	sdelay $0x7  }
0xe0: {  	v4, _, _ =	vpop (xrf2)  }
0xe1: {  	(v2sf) =	vpush v4, $0xF  }
0xe2: {  	v4, _, _ =	vpop (xrf2)  }
0xe3: {  	(v2sf) =	vpush v4, $0xF;
	_ =	sdelay $0xc  }
0xe4: {  	s28 =	spop (v2sf)  }
0xe5: {  	s0 =	smul.f32 $-2.222222280e-02, s28  }
0xe6: {  	s29 =	spop (v2sf)  }
0xe7: {  	s0 =	sadd.f32 s0, s29;
	_ =	sdelay $0x1  }
0xe8: {  	v4 =	vmov s0  }
0xe9: {  	s31 =	simm.s32 $0x19AC0;
	s30 =	rddreg [dreg:$0x1];
	[tilespmem:$0x19AC0] =	vst v4  }
0xea: {  	[hbm4b:s30+s5] =	stream.linear.scatter [tilespmem:s31], [sflag:$0x1], $0x80, $0x38;
	[tilespmem:$0x19B40] =	vst v63  }
0xeb: {  	_ =	swait.ge [sflag:s19], $0x80  }
0xec: {  	[sflag:s19] =	ssyncset.done $0x0  }
0xed: {  	[sflag:s19] =	ssyncadd.s32 $0xFFFFFF80  }
.LBB2_7:
0xee: {  	s1 =	sadd.s32 $0x1, s1  }
0xef: {  	p1 =	sne.s32 s1, s16  }
.Ltmp1:
0xf0: {  	_ = 	snop;
	(pc) =	sbr.rel @!p1 .LBB2_8-.Ltmp1, $1  }
0xf1: {  	_ =	sdelay $0x3  }
.LBB2_1:
0xf2: {  	[tilespmem:s18], [sflag:$0x1] =	stream.linear.gather [hbm4b:s6+s5], $0x80, $0x38;
	[tilespmem:$0x19B40] =	vst v63  }
0xf3: {  	_ =	swait.ge [sflag:s19], $0x80  }
0xf4: {  	[sflag:s19] =	ssyncset.done $0x0  }
0xf5: {  	[sflag:s19] =	ssyncadd.s32 $0xFFFFFF80  }
0xf6: {  	[tilespmem:s5], [sflag:$0x1] =	stream.strided.gather [hbm4b:s13+s20], $0x19500, s21, s20, $0x38;
	[tilespmem:$0x19B40] =	vst v63  }
0xf7: {  	_ =	swait.ge [sflag:s19], $0x19500  }
0xf8: {  	[sflag:s19] =	ssyncset.done $0x0  }
0xf9: {  	[sflag:s19] =	ssyncadd.s32 $0xFFFE6B00  }
0xfa: {  	v4 =	vld [tilespmem:s5+$0x0]  }
0xfb: {  	s2 =	sand.u32 $0x3FF0, s5  }
0xfc: {  	v5 =	vld [tilespmem:s2+$0x2D00];
	_ =	sdelay $0x1  }
0xfd: {  	v6 =	vld [tilespmem:s2+$0x5A00]  }
0xfe: {  	v8 =	vld [tilespmem:s2+$0x8700]  }
0xff: {  	v10 =	vld [tilespmem:s2+$0xB400]  }
0x100: {  	v11 =	vld [tilespmem:s2+$0xE100]  }
0x101: {  	v4 =	vld.idx.msk [tilespmem:v4+s18+$0x0], $0xffff  }
0x102: {  	v7 =	vld [tilespmem:s2+$0x10E00]  }
0x103: {  	s28 =	simm.s32 $0x10;
	v5 =	vld.idx.msk [tilespmem:v5+s18+$0x0], $0xffff  }
0x104: {  	v12 =	vld [tilespmem:s28+$0x0]  }
0x105: {  	v13 =	vld.idx.msk [tilespmem:v6+s18+$0x0], $0xffff  }
0x106: {  	v6 =	vld [tilespmem:s2+$0x13B00];
	v4 =	vadd.f32 $0.0e+00, v4  }
0x107: {  	v9 =	vld.idx.msk [tilespmem:v8+s18+$0x0], $0xffff  }
0x108: {  	v8 =	vld [tilespmem:s2+$0x16800];
	v5 =	vadd.f32 v5, v4  }
0x109: {  	s31 =	simm.s32 $0x20;
	v10 =	vld.idx.msk [tilespmem:v10+s18+$0x0], $0xffff  }
0x10a: {  	s29 =	simm.s32 $0x0;
	s30 =	sand.u32 $0x3FF0, s28;
	v11 =	vld.idx.msk [tilespmem:v11+s18+$0x0], $0xffff;
	s2 =	simm.s32 $0x10;
	v4 =	vimm.f32 $-Inf;
	v13 =	vadd.f32 v13, v5;
	v5 =	vimm.s32 $0x0  }
.LBB2_2:
0x10b: {  	p1 =	sne.s32 s31, $0x2CF0;
	v14 =	vld [tilespmem:s30+$0x2D00]  }
0x10c: {  	v9 =	vadd.f32 v9, v13;
	v7 =	vld.idx.msk [tilespmem:v7+s18+$0x0], $0xffff  }
0x10d: {  	v13 =	vld [tilespmem:s30+$0x5A00]  }
0x10e: {  	v9 =	vadd.f32 v10, v9;
	v6 =	vld.idx.msk [tilespmem:v6+s18+$0x0], $0xffff  }
0x10f: {  	v10 =	vld [tilespmem:s30+$0x8700]  }
0x110: {  	v9 =	vadd.f32 v11, v9;
	v8 =	vld.idx.msk [tilespmem:v8+s18+$0x0], $0xffff  }
0x111: {  	v11 =	vld [tilespmem:s30+$0xB400]  }
0x112: {  	v12 =	vld.idx.msk [tilespmem:v12+s18+$0x0], $0xffff;
	v7 =	vadd.f32 v7, v9  }
0x113: {  	v15 =	vld [tilespmem:s30+$0xE100]  }
0x114: {  	v14 =	vld.idx.msk [tilespmem:v14+s18+$0x0], $0xffff;
	v6 =	vadd.f32 v6, v7  }
0x115: {  	v7 =	vld [tilespmem:s30+$0x10E00]  }
0x116: {  	v13 =	vld.idx.msk [tilespmem:v13+s18+$0x0], $0xffff;
	v16 =	vadd.f32 v8, v6  }
0x117: {  	s0 =	sadd.s32 s29, s17;
	s29 =	smov.u32 s28;
	s28 =	smov.u32 s31;
	v6 =	vld [tilespmem:s30+$0x13B00]  }
.Ltmp2:
0x118: {  	v12 =	vadd.f32 $0.0e+00, v12;
	v9 =	vld.idx.msk [tilespmem:v10+s18+$0x0], $0xffff;
	v10 =	vor.u32 s0, v0;
	vm10 =	vgt.f32 v16, v4;
	(pc) =	sbr.rel @p1 .LBB2_2-.Ltmp2, $4  }
0x119: {  	v8 =	vld [tilespmem:s30+$0x16800];
	v4 =	vsel vm10, v16, v4;
	v5 =	vsel vm10, v10, v5  }
0x11a: {  	s2 =	sadd.s32 $0x10, s2;
	v14 =	vadd.f32 v14, v12;
	v10 =	vld.idx.msk [tilespmem:v11+s18+$0x0], $0xffff  }
0x11b: {  	v12 =	vld [tilespmem:s2+$0x0]  }
0x11c: {  	s31 =	sadd.s32 $0x10, s31;
	s30 =	sand.u32 $0x3FF0, s28;
	v13 =	vadd.f32 v13, v14;
	v11 =	vld.idx.msk [tilespmem:v15+s18+$0x0], $0xffff  }
0x11d: {  	_ = 	snop  }
0x11e: {  	v14 =	vld [tilespmem:s30+$0x2D00];
	_ =	sdelay $0x1  }
0x11f: {  	v15 =	vld [tilespmem:s30+$0x5A00];
	_ =	sdelay $0x1  }
0x120: {  	v16 =	vld [tilespmem:s30+$0x8700]  }
0x121: {  	v17 =	vld [tilespmem:s30+$0xB400]  }
0x122: {  	v12 =	vld.idx.msk [tilespmem:v12+s18+$0x0], $0xffff  }
0x123: {  	v18 =	vld [tilespmem:s30+$0xE100]  }
0x124: {  	v14 =	vld.idx.msk [tilespmem:v14+s18+$0x0], $0xffff  }
0x125: {  	v19 =	vld [tilespmem:s30+$0x10E00]  }
0x126: {  	v15 =	vld.idx.msk [tilespmem:v15+s18+$0x0], $0xffff  }
0x127: {  	v20 =	vld [tilespmem:s30+$0x13B00];
	v12 =	vadd.f32 $0.0e+00, v12  }
0x128: {  	v16 =	vld.idx.msk [tilespmem:v16+s18+$0x0], $0xffff  }
0x129: {  	v54 =	vld [tilespmem:s30+$0x16800];
	v12 =	vadd.f32 v14, v12  }
0x12a: {  	v17 =	vld.idx.msk [tilespmem:v17+s18+$0x0], $0xffff  }
0x12b: {  	v7 =	vld.idx.msk [tilespmem:v7+s18+$0x0], $0xffff;
	v9 =	vadd.f32 v9, v13;
	v12 =	vadd.f32 v15, v12  }
0x12c: {  	v55 =	vld.idx.msk [tilespmem:v18+s18+$0x0], $0xffff  }
0x12d: {  	v6 =	vld.idx.msk [tilespmem:v6+s18+$0x0], $0xffff;
	v9 =	vadd.f32 v10, v9;
	v56 =	vadd.f32 v16, v12  }
0x12e: {  	v57 =	vld.idx.msk [tilespmem:v19+s18+$0x0], $0xffff  }
0x12f: {  	v8 =	vld.idx.msk [tilespmem:v8+s18+$0x0], $0xffff;
	v9 =	vadd.f32 v11, v9;
	v10 =	vadd.f32 v17, v56  }
0x130: {  	v58 =	vld.idx.msk [tilespmem:v20+s18+$0x0], $0xffff  }
0x131: {  	v7 =	vadd.f32 v7, v9;
	v59 =	vadd.f32 v55, v10  }
0x132: {  	v60 =	vld.idx.msk [tilespmem:v54+s18+$0x0], $0xffff  }
0x133: {  	v6 =	vadd.f32 v6, v7;
	v61 =	vadd.f32 v57, v59;
	_ =	sdelay $0x1  }
0x134: {  	v6 =	vadd.f32 v8, v6;
	v7 =	vadd.f32 v58, v61;
	_ =	sdelay $0x1  }
0x135: {  	vm10 =	vgt.f32 v6, v4;
	v7 =	vadd.f32 v60, v7  }
0x136: {  	s0 =	sadd.s32 s29, s17;
	v4 =	vsel vm10, v6, v4  }
0x137: {  	s31 =	sadd.s32 s28, s17;
	v62 =	vor.u32 s0, v0;
	vm11 =	vgt.f32 v7, v4  }
0x138: {  	v63 =	vor.u32 s31, v0;
	v5 =	vsel vm10, v62, v5;
	v4 =	vsel vm11, v7, v4  }
0x139: {  	v5 =	vsel vm11, v63, v5;
	[tilespmem:$0x195C0] =	vst v4  }
0x13a: {  	[tilespmem:$0x19640] =	vst v5  }
0x13b: {  	[spmem:s14] =	stream.linear.scatter [tilespmem:s22], [sflag:$0x1], $0x80, $0x38;
	[tilespmem:$0x19B40] =	vst v63  }
0x13c: {  	_ =	swait.ge [sflag:s19], $0x80  }
0x13d: {  	[sflag:s19] =	ssyncset.done $0x0  }
0x13e: {  	[sflag:s19] =	ssyncadd.s32 $0xFFFFFF80  }
0x13f: {  	[spmem:s15] =	stream.linear.scatter [tilespmem:s23], [sflag:$0x1], $0x80, $0x38;
	[tilespmem:$0x19B40] =	vst v63  }
.Ltmp3:
0x140: {  	_ =	swait.ge [sflag:s19], $0x80;
	(pc) =	sbr.rel @p0 .LBB2_7-.Ltmp3, $3  }
0x141: {  	[sflag:s19] =	ssyncset.done $0x0  }
0x142: {  	[sflag:s19] =	ssyncadd.s32 $0xFFFFFF80  }
0x143: {  	[bflag:$0x0] =	sbarrier.arrive $0xFFFF;
	_ =	sdelay $0x1  }
0x144: {  	s0 =	sadd.s32 $0x0, s3  }
0x145: {  	[tilespmem:s22], [sflag:$0x1] =	stream.linear.gather [spmem:s0], $0x80, $0x38;
	[tilespmem:$0x19B40] =	vst v63  }
0x146: {  	_ =	swait.ge [sflag:s19], $0x80  }
0x147: {  	[sflag:s19] =	ssyncset.done $0x0  }
0x148: {  	s29 =	sadd.s32 $0x0, s4;
	[sflag:s19] =	ssyncadd.s32 $0xFFFFFF80  }
0x149: {  	[tilespmem:s23], [sflag:$0x1] =	stream.linear.gather [spmem:s29], $0x80, $0x38;
	[tilespmem:$0x19B40] =	vst v63  }
0x14a: {  	_ =	swait.ge [sflag:s19], $0x80  }
0x14b: {  	[sflag:s19] =	ssyncset.done $0x0  }
0x14c: {  	[sflag:s19] =	ssyncadd.s32 $0xFFFFFF80  }
0x14d: {  	v4 =	vld [tilespmem:$0x195C0]  }
0x14e: {  	s30 =	sadd.s32 $0x80, s3;
	v5 =	vld [tilespmem:$0x19640]  }
0x14f: {  	[tilespmem:s22], [sflag:$0x1] =	stream.linear.gather [spmem:s30], $0x80, $0x38;
	[tilespmem:$0x19B40] =	vst v63  }
0x150: {  	_ =	swait.ge [sflag:s19], $0x80  }
0x151: {  	[sflag:s19] =	ssyncset.done $0x0  }
0x152: {  	s31 =	sadd.s32 $0x80, s4;
	v6 =	vimm.f32 $-Inf;
	v7 =	vimm.s32 $0x40000000;
	[sflag:s19] =	ssyncadd.s32 $0xFFFFFF80  }
0x153: {  	[tilespmem:s23], [sflag:$0x1] =	stream.linear.gather [spmem:s31], $0x80, $0x38;
	vm11 =	veq.f32 v4, v6;
	vm12 =	vlt.s32 v5, v7;
	[tilespmem:$0x19B40] =	vst v63  }
0x154: {  	s2 =	simm.s32 $0x400;
	vm10 =	vgt.f32 v4, v6;
	_ =	swait.ge [sflag:s19], $0x80;
	vm11 =	vmand vm11, vm12  }
.LBB2_5:
0x155: {  	p1 =	sne.s32 s2, $0x3E00  }
0x156: {  	[sflag:s19] =	ssyncset.done $0x0;
	vm10 =	vmor vm10, vm11;
	s0 =	smov.u32 s2;
	s2 =	sadd.s32 $0x200, s2  }
0x157: {  	[sflag:s19] =	ssyncadd.s32 $0xFFFFFF80;
	v6 =	vsel vm10, v4, v6;
	v7 =	vsel vm10, v5, v7  }
0x158: {  	s0 =	sshra.s32 s0, $0x2;
	v4 =	vld [tilespmem:$0x195C0]  }
0x159: {  	s28 =	sadd.s32 s0, s3;
	v5 =	vld [tilespmem:$0x19640]  }
0x15a: {  	[tilespmem:s22], [sflag:$0x1] =	stream.linear.gather [spmem:s28], $0x80, $0x38;
	[tilespmem:$0x19B40] =	vst v63  }
.Ltmp4:
0x15b: {  	_ =	swait.ge [sflag:s19], $0x80;
	(pc) =	sbr.rel @p1 .LBB2_5-.Ltmp4, $4  }
0x15c: {  	[sflag:s19] =	ssyncset.done $0x0  }
0x15d: {  	s0 =	sadd.s32 s0, s4;
	[sflag:s19] =	ssyncadd.s32 $0xFFFFFF80;
	vm11 =	veq.f32 v4, v6  }
0x15e: {  	vm10 =	vgt.f32 v4, v6;
	[tilespmem:s23], [sflag:$0x1] =	stream.linear.gather [spmem:s0], $0x80, $0x38;
	vm12 =	vlt.s32 v5, v7;
	[tilespmem:$0x19B40] =	vst v63  }
0x15f: {  	_ =	swait.ge [sflag:s19], $0x80;
	vm11 =	vmand vm11, vm12  }
.Ltmp5:
0x160: {  	_ = 	snop;
	(pc) =	sbr.rel .LBB2_6-.Ltmp5, $1  }
0x161: {  	_ =	sdelay $0x3  }
.LBB2_8:
0x162: {  	_ =	sfence.sel $0x180000  }
0x163: {  	[bflag:$0x0] =	sbarrier.arrive $0xFFFF  }
0x164: {  	_ =	strace $0x90000047  }
0x165: {  	s0 =	stileid.u32;
	[bflag:$0x2] =	sbarrier.arrive $0xFFFF  }
0x166: {  	p0 =	sne.s32 s0, $0x0;
	s0 =	rddreg [dreg:$0x4]  }
0x167: {  	s0 =	sadd.s32 @!p0 $0x100000, s0  }
0x168: {  	[sflag:s0] =	ssyncadd.tile.s32 @!p0 $0x1;
	_ =	shalt  }
.Lfunc_end2:
_tile_overlayer_lowered:
.L_overlay_start_2:
0x169: {  	(tag) =	ssettag $0x2  }
0x16a: {  	s0 =	rddreg [dreg:$0x0];
	s2 =	stileid.u32  }
0x16b: {  	s1 =	rddreg [dreg:$0x1];
	p0 =	sne.s32 s2, $0x0  }
0x16c: {  	s3 =	rddreg [dreg:$0x2];
	[bflag:$0x3] =	sbarrier.arrive $0xFFFF;
	s2 =	simm.s32 @!p0 $0x1C01  }
0x16d: {  	[timem:s3], [sflag:s2] =	dma.local @!p0 [hbm:s0], s1  }
0x16e: {  	s0 =	simm.s32 @!p0 $0x1  }
0x16f: {  	_ =	swait.ge @!p0 [sflag:s0], s1  }
0x170: {  	s1 =	ssub.s32 @!p0 $0x0, s1;
	[sflag:s0] =	ssyncset.done @!p0 $0x0  }
0x171: {  	[sflag:s0] =	ssyncadd.s32 @!p0 s1  }
0x172: {  	[bflag:$0x3] =	sbarrier.arrive $0xFFFF  }
0x173: {  	_ =	shalt  }

</sc_bundles>
